<compile_context>
chip_gen: v7x
topology: tpu7x:2x2x1
jax: 0.10.2.dev20260603
libtpu: 0.0.44.dev20260713+nightly
codegen_flags: <defaults>
</compile_context>

<pallas_src>
import functools

import jax
import jax.numpy as jnp
from jax import lax
from jax.experimental import pallas as pl
from jax.experimental.pallas import tpu as pltpu
from jax.experimental.pallas import tpu_sc as plsc

DIM = 128
LANES = 16
GROUPS = DIM // LANES
NUM_CORES = 2
NUM_SUBCORES = 16
NW = NUM_CORES * NUM_SUBCORES
CHUNK = 128
EPS = 1e-12


def _lane_sum(v):
    lanes = lax.iota(jnp.int32, LANES)
    for k in (8, 4, 2, 1):
        v = v + v.at[lanes ^ k].get(mode="promise_in_bounds", unique_indices=True)
    return v


def _rsqrt(x):
    i = lax.bitcast_convert_type(x, jnp.int32)
    i = jnp.int32(0x5F3759DF) - lax.shift_right_logical(i, 1)
    y = lax.bitcast_convert_type(i, jnp.float32)
    h = x * 0.5
    for _ in range(3):
        y = y * (1.5 - h * y * y)
    return y


def _make_sc_kernel(n_tokens):
    assert n_tokens % (NW * CHUNK) == 0
    n_per_w = n_tokens // NW
    n_chunks = n_per_w // CHUNK
    mesh = plsc.VectorSubcoreMesh(core_axis_name="c", subcore_axis_name="s")

    @functools.partial(
        pl.kernel,
        mesh=mesh,
        out_type=jax.ShapeDtypeStruct((n_tokens, DIM), jnp.float32),
        scratch_types=[
            pltpu.VMEM((CHUNK,), jnp.int32),
            pltpu.VMEM((CHUNK, DIM), jnp.float32),
            pltpu.VMEM((DIM,), jnp.float32),
            pltpu.VMEM((DIM,), jnp.float32),
            pltpu.SemaphoreType.DMA,
        ],
    )
    def sc_kernel(idx_hbm, table_hbm, gamma_hbm, beta_hbm, out_hbm,
                  idx_v, rows_v, g_v, b_v, sem):
        wid = lax.axis_index("s") * NUM_CORES + lax.axis_index("c")
        base = wid * n_per_w
        pltpu.sync_copy(gamma_hbm, g_v)
        pltpu.sync_copy(beta_hbm, b_v)
        gs = [g_v[pl.ds(LANES * j, LANES)] for j in range(GROUPS)]
        bs = [b_v[pl.ds(LANES * j, LANES)] for j in range(GROUPS)]

        def chunk_body(c, carry):
            off = base + c * CHUNK
            pltpu.sync_copy(idx_hbm.at[pl.ds(off, CHUNK)], idx_v)
            pltpu.async_copy(table_hbm.at[idx_v], rows_v, sem).wait()

            def row_body(r, rc):
                xs = [rows_v[r, pl.ds(LANES * j, LANES)] for j in range(GROUPS)]
                s0 = (xs[0] + xs[1]) + (xs[2] + xs[3])
                s1 = (xs[4] + xs[5]) + (xs[6] + xs[7])
                q0 = (xs[0] * xs[0] + xs[1] * xs[1]) + (xs[2] * xs[2] + xs[3] * xs[3])
                q1 = (xs[4] * xs[4] + xs[5] * xs[5]) + (xs[6] * xs[6] + xs[7] * xs[7])
                mean = _lane_sum(s0 + s1) * (1.0 / DIM)
                var = _lane_sum(q0 + q1) * (1.0 / DIM) - mean * mean
                inv = _rsqrt(var + EPS)
                b = -mean * inv
                for j in range(GROUPS):
                    rows_v[r, pl.ds(LANES * j, LANES)] = (
                        (xs[j] * inv + b) * gs[j] + bs[j])
                return rc

            lax.fori_loop(0, CHUNK, row_body, 0, unroll=4)
            pltpu.sync_copy(rows_v, out_hbm.at[pl.ds(off, CHUNK)])
            return carry

        lax.fori_loop(0, n_chunks, chunk_body, 0)

    return sc_kernel


def kernel(input_ids, word_table, gamma, beta):
    b, l = input_ids.shape
    idx = input_ids.reshape(-1).astype(jnp.int32)
    sc = _make_sc_kernel(b * l)
    out = sc(idx, word_table, gamma, beta)
    return out.reshape(b, l, DIM)

# --- scband reference (transcript-rebuilt; emitter-appended) ---
"""Pipeline reference for scband-bert-no-pos-embeddings-34084860461118 (READ-ONLY COPY).

The authoritative reference and input builder live on the scoring server;
editing this copy changes nothing except your own understanding.
"""

import jax, jax.numpy as jnp
import numpy as np

VOCAB = 100000
DIM = 128
B = 1024
L = 200
EPS = 1e-12

def setup_inputs(seed: int = 0) -> dict:
    key = jax.random.key(seed)
    k1, k2, k3 = jax.random.split(key, 3)
    input_ids = jax.random.randint(k1, (B, L), 0, VOCAB, dtype=jnp.int64 if jax.config.jax_enable_x64 else jnp.int32)
    word_table = jax.random.normal(k2, (VOCAB, DIM), dtype=jnp.float32) * 0.02
    gamma = jnp.ones((DIM,), dtype=jnp.float32)
    beta = jnp.zeros((DIM,), dtype=jnp.float32)
    return {"input_ids": input_ids, "word_table": word_table, "gamma": gamma, "beta": beta}

def reference(input_ids, word_table, gamma, beta):
    # word embedding lookup (gather)
    words_embeddings = jnp.take(word_table, input_ids, axis=0)  # [B, L, DIM]
    embeddings = words_embeddings
    # LayerNorm over last dim (matches nn.LayerNorm(128, eps=1e-12))
    mean = jnp.mean(embeddings, axis=-1, keepdims=True)
    var = jnp.mean(jnp.square(embeddings - mean), axis=-1, keepdims=True)
    normed = (embeddings - mean) / jnp.sqrt(var + EPS)
    out = normed * gamma + beta
    # Dropout in eval mode is identity
    return out

if __name__ == "__main__":
    import jax
    _d = setup_inputs()
    print(jax.jit(kernel)(*tuple(_d.values())))

</pallas_src>

<mosaic_0001>
#map = affine_map<(d0, d1) -> (0)>
#map1 = affine_map<(d0, d1) -> (0, 0)>
module attributes {stable_mosaic.version = 14 : i64} {
  func.func @sc_kernel(%arg0: i32, %arg1: i32, %arg2: memref<204800xi32, #tpu.memory_space<hbm>>, %arg3: memref<100000x128xf32, #tpu.memory_space<hbm>>, %arg4: memref<128xf32, #tpu.memory_space<hbm>>, %arg5: memref<128xf32, #tpu.memory_space<hbm>>, %arg6: memref<204800x128xf32, #tpu.memory_space<hbm>>, %arg7: memref<128xi32, #tpu.memory_space<vmem>>, %arg8: memref<128x128xf32, #tpu.memory_space<vmem>>, %arg9: memref<128xf32, #tpu.memory_space<vmem>>, %arg10: memref<128xf32, #tpu.memory_space<vmem>>, %arg11: memref<!tpu.dma_semaphore, #tpu.memory_space<semaphore_mem>>) attributes {dimension_semantics = [#tpu.dimension_semantics<core_parallel>, #tpu.dimension_semantics<subcore_parallel>], iteration_bounds = array<i64: 2, 16>, scalar_prefetch = 0 : i64, scratch_operands = 5 : i64, tpu.core_type = #tpu.core_type<sc_vector_subcore>, window_params = [{transform_indices = #map}, {transform_indices = #map1}, {transform_indices = #map}, {transform_indices = #map}, {transform_indices = #map1}]} {
    %mul3A = arith.constant 2 : i32
    %mul3A_0 = arith.muli %arg1, %mul3A : i32
    %add3A = arith.addi %mul3A_0, %arg0 : i32
    %mul3A_1 = arith.constant 6400 : i32
    %mul3A_2 = arith.muli %add3A, %mul3A_1 : i32
    "tpu.region"() ({
      %run_scoped3A = tpu.sem_alloc : memref<!tpu.dma_semaphore, #tpu.memory_space<semaphore_mem>>
      tpu.enqueue_dma source(%arg4 : memref<128xf32, #tpu.memory_space<hbm>>) target(%arg9 : memref<128xf32, #tpu.memory_space<vmem>>) target_semaphore(%run_scoped3A : memref<!tpu.dma_semaphore, #tpu.memory_space<semaphore_mem>>)
      tpu.wait_dma2 semaphore(%run_scoped3A : memref<!tpu.dma_semaphore, #tpu.memory_space<semaphore_mem>>) src(%arg4 : memref<128xf32, #tpu.memory_space<hbm>>) dst(%arg9 : memref<128xf32, #tpu.memory_space<vmem>>)
      tpu.yield
    }) : () -> ()
    "tpu.region"() ({
      %run_scoped3A = tpu.sem_alloc : memref<!tpu.dma_semaphore, #tpu.memory_space<semaphore_mem>>
      tpu.enqueue_dma source(%arg5 : memref<128xf32, #tpu.memory_space<hbm>>) target(%arg10 : memref<128xf32, #tpu.memory_space<vmem>>) target_semaphore(%run_scoped3A : memref<!tpu.dma_semaphore, #tpu.memory_space<semaphore_mem>>)
      tpu.wait_dma2 semaphore(%run_scoped3A : memref<!tpu.dma_semaphore, #tpu.memory_space<semaphore_mem>>) src(%arg5 : memref<128xf32, #tpu.memory_space<hbm>>) dst(%arg10 : memref<128xf32, #tpu.memory_space<vmem>>)
      tpu.yield
    }) : () -> ()
    %get3A = arith.constant 0 : index
    %get3A_3 = tpu.vector_load %arg9[%get3A] {strides = array<i32>} : memref<128xf32, #tpu.memory_space<vmem>>, vector<16xf32>,
    %get3A_4 = vector.shape_cast %get3A_3 : vector<16xf32> to vector<16xf32>
    %get3A_5 = arith.constant 16 : index
    %get3A_6 = tpu.vector_load %arg9[%get3A_5] {strides = array<i32>} : memref<128xf32, #tpu.memory_space<vmem>>, vector<16xf32>,
    %get3A_7 = vector.shape_cast %get3A_6 : vector<16xf32> to vector<16xf32>
    %get3A_8 = arith.constant 32 : index
    %get3A_9 = tpu.vector_load %arg9[%get3A_8] {strides = array<i32>} : memref<128xf32, #tpu.memory_space<vmem>>, vector<16xf32>,
    %get3A_10 = vector.shape_cast %get3A_9 : vector<16xf32> to vector<16xf32>
    %get3A_11 = arith.constant 48 : index
    %get3A_12 = tpu.vector_load %arg9[%get3A_11] {strides = array<i32>} : memref<128xf32, #tpu.memory_space<vmem>>, vector<16xf32>,
    %get3A_13 = vector.shape_cast %get3A_12 : vector<16xf32> to vector<16xf32>
    %get3A_14 = arith.constant 64 : index
    %get3A_15 = tpu.vector_load %arg9[%get3A_14] {strides = array<i32>} : memref<128xf32, #tpu.memory_space<vmem>>, vector<16xf32>,
    %get3A_16 = vector.shape_cast %get3A_15 : vector<16xf32> to vector<16xf32>
    %get3A_17 = arith.constant 80 : index
    %get3A_18 = tpu.vector_load %arg9[%get3A_17] {strides = array<i32>} : memref<128xf32, #tpu.memory_space<vmem>>, vector<16xf32>,
    %get3A_19 = vector.shape_cast %get3A_18 : vector<16xf32> to vector<16xf32>
    %get3A_20 = arith.constant 96 : index
    %get3A_21 = tpu.vector_load %arg9[%get3A_20] {strides = array<i32>} : memref<128xf32, #tpu.memory_space<vmem>>, vector<16xf32>,
    %get3A_22 = vector.shape_cast %get3A_21 : vector<16xf32> to vector<16xf32>
    %get3A_23 = arith.constant 112 : index
    %get3A_24 = tpu.vector_load %arg9[%get3A_23] {strides = array<i32>} : memref<128xf32, #tpu.memory_space<vmem>>, vector<16xf32>,
    %get3A_25 = vector.shape_cast %get3A_24 : vector<16xf32> to vector<16xf32>
    %get3A_26 = arith.constant 0 : index
    %get3A_27 = tpu.vector_load %arg10[%get3A_26] {strides = array<i32>} : memref<128xf32, #tpu.memory_space<vmem>>, vector<16xf32>,
    %get3A_28 = vector.shape_cast %get3A_27 : vector<16xf32> to vector<16xf32>
    %get3A_29 = arith.constant 16 : index
    %get3A_30 = tpu.vector_load %arg10[%get3A_29] {strides = array<i32>} : memref<128xf32, #tpu.memory_space<vmem>>, vector<16xf32>,
    %get3A_31 = vector.shape_cast %get3A_30 : vector<16xf32> to vector<16xf32>
    %get3A_32 = arith.constant 32 : index
    %get3A_33 = tpu.vector_load %arg10[%get3A_32] {strides = array<i32>} : memref<128xf32, #tpu.memory_space<vmem>>, vector<16xf32>,
    %get3A_34 = vector.shape_cast %get3A_33 : vector<16xf32> to vector<16xf32>
    %get3A_35 = arith.constant 48 : index
    %get3A_36 = tpu.vector_load %arg10[%get3A_35] {strides = array<i32>} : memref<128xf32, #tpu.memory_space<vmem>>, vector<16xf32>,
    %get3A_37 = vector.shape_cast %get3A_36 : vector<16xf32> to vector<16xf32>
    %get3A_38 = arith.constant 64 : index
    %get3A_39 = tpu.vector_load %arg10[%get3A_38] {strides = array<i32>} : memref<128xf32, #tpu.memory_space<vmem>>, vector<16xf32>,
    %get3A_40 = vector.shape_cast %get3A_39 : vector<16xf32> to vector<16xf32>
    %get3A_41 = arith.constant 80 : index
    %get3A_42 = tpu.vector_load %arg10[%get3A_41] {strides = array<i32>} : memref<128xf32, #tpu.memory_space<vmem>>, vector<16xf32>,
    %get3A_43 = vector.shape_cast %get3A_42 : vector<16xf32> to vector<16xf32>
    %get3A_44 = arith.constant 96 : index
    %get3A_45 = tpu.vector_load %arg10[%get3A_44] {strides = array<i32>} : memref<128xf32, #tpu.memory_space<vmem>>, vector<16xf32>,
    %get3A_46 = vector.shape_cast %get3A_45 : vector<16xf32> to vector<16xf32>
    %get3A_47 = arith.constant 112 : index
    %get3A_48 = tpu.vector_load %arg10[%get3A_47] {strides = array<i32>} : memref<128xf32, #tpu.memory_space<vmem>>, vector<16xf32>,
    %get3A_49 = vector.shape_cast %get3A_48 : vector<16xf32> to vector<16xf32>
    %scan3A = arith.constant 0 : i32
    %scan3A_50 = arith.constant 0 : i32
    %scan3A_51 = arith.constant 50 : i32
    %scan3A_52 = arith.addi %scan3A_50, %scan3A_51 : i32
    %scan3A_53 = arith.constant 1 : i32
    scf.for %scan3A_55 = %scan3A_50 to %scan3A_52 step %scan3A_53  : i32 {
      %mul3A_56 = arith.constant 128 : i32
      %mul3A_57 = arith.muli %scan3A_55, %mul3A_56 : i32
      %add3A_58 = arith.addi %mul3A_2, %mul3A_57 : i32
      "tpu.region"() ({
        %run_scoped3A = tpu.sem_alloc : memref<!tpu.dma_semaphore, #tpu.memory_space<semaphore_mem>>
        %dma_start3A_69 = tpu.memref_slice %arg2[%add3A_58] : memref<204800xi32, #tpu.memory_space<hbm>> -> memref<128xi32, #tpu.memory_space<hbm>>
        %dma_start3A_70 = tpu.memref_slice %arg2[%add3A_58] : memref<204800xi32, #tpu.memory_space<hbm>> -> memref<128xi32, #tpu.memory_space<hbm>>
        tpu.enqueue_dma source(%dma_start3A_70 : memref<128xi32, #tpu.memory_space<hbm>>) target(%arg7 : memref<128xi32, #tpu.memory_space<vmem>>) target_semaphore(%run_scoped3A : memref<!tpu.dma_semaphore, #tpu.memory_space<semaphore_mem>>)
        %dma_wait3A_71 = tpu.memref_slice %arg2[%add3A_58] : memref<204800xi32, #tpu.memory_space<hbm>> -> memref<128xi32, #tpu.memory_space<hbm>>
        %dma_wait3A_72 = tpu.memref_slice %arg2[%add3A_58] : memref<204800xi32, #tpu.memory_space<hbm>> -> memref<128xi32, #tpu.memory_space<hbm>>
        tpu.wait_dma2 semaphore(%run_scoped3A : memref<!tpu.dma_semaphore, #tpu.memory_space<semaphore_mem>>) src(%dma_wait3A_72 : memref<128xi32, #tpu.memory_space<hbm>>) dst(%arg7 : memref<128xi32, #tpu.memory_space<vmem>>)
        tpu.yield
      }) : () -> ()
      %dma_start3A = arith.constant 0 : i32
      %dma_start3A_59 = arith.constant 0 : i32
      %dma_start3A_60 = tpu.memref_slice %arg3[%dma_start3A, %dma_start3A_59] : memref<100000x128xf32, #tpu.memory_space<hbm>> -> memref<100000x128xf32, #tpu.memory_space<hbm>>
      tpu.enqueue_indirect_dma source(%dma_start3A_60 : memref<100000x128xf32, #tpu.memory_space<hbm>>) target(%arg8 : memref<128x128xf32, #tpu.memory_space<vmem>>) offsets(%arg7 : memref<128xi32, #tpu.memory_space<vmem>>) semaphore(%arg11 : memref<!tpu.dma_semaphore, #tpu.memory_space<semaphore_mem>>)
      %dma_wait3A = arith.constant 0 : i32
      %dma_wait3A_61 = arith.constant 0 : i32
      %dma_wait3A_62 = tpu.memref_slice %arg3[%dma_wait3A, %dma_wait3A_61] : memref<100000x128xf32, #tpu.memory_space<hbm>> -> memref<100000x128xf32, #tpu.memory_space<hbm>>
      tpu.wait_indirect_dma semaphore(%arg11 : memref<!tpu.dma_semaphore, #tpu.memory_space<semaphore_mem>>) src(%dma_wait3A_62 : memref<100000x128xf32, #tpu.memory_space<hbm>>) dst(%arg8 : memref<128x128xf32, #tpu.memory_space<vmem>>)
      %scan3A_63 = arith.constant 0 : i32
      %scan3A_64 = arith.constant 0 : i32
      %scan3A_65 = arith.constant 128 : i32
      %scan3A_66 = arith.addi %scan3A_64, %scan3A_65 : i32
      %scan3A_67 = arith.constant 4 : i32
      scf.for %scan3A_69 = %scan3A_64 to %scan3A_66 step %scan3A_67  : i32 {
        %get3A_70 = arith.index_cast %scan3A_69 : i32 to index
        %get3A_71 = arith.constant 0 : index
        %get3A_72 = tpu.vector_load %arg8[%get3A_70, %get3A_71] {strides = array<i32>} : memref<128x128xf32, #tpu.memory_space<vmem>>, vector<1x16xf32>,
        %get3A_73 = vector.shape_cast %get3A_72 : vector<1x16xf32> to vector<16xf32>
        %get3A_74 = arith.index_cast %scan3A_69 : i32 to index
        %get3A_75 = arith.constant 16 : index
        %get3A_76 = tpu.vector_load %arg8[%get3A_74, %get3A_75] {strides = array<i32>} : memref<128x128xf32, #tpu.memory_space<vmem>>, vector<1x16xf32>,
        %get3A_77 = vector.shape_cast %get3A_76 : vector<1x16xf32> to vector<16xf32>
        %get3A_78 = arith.index_cast %scan3A_69 : i32 to index
        %get3A_79 = arith.constant 32 : index
        %get3A_80 = tpu.vector_load %arg8[%get3A_78, %get3A_79] {strides = array<i32>} : memref<128x128xf32, #tpu.memory_space<vmem>>, vector<1x16xf32>,
        %get3A_81 = vector.shape_cast %get3A_80 : vector<1x16xf32> to vector<16xf32>
        %get3A_82 = arith.index_cast %scan3A_69 : i32 to index
        %get3A_83 = arith.constant 48 : index
        %get3A_84 = tpu.vector_load %arg8[%get3A_82, %get3A_83] {strides = array<i32>} : memref<128x128xf32, #tpu.memory_space<vmem>>, vector<1x16xf32>,
        %get3A_85 = vector.shape_cast %get3A_84 : vector<1x16xf32> to vector<16xf32>
        %get3A_86 = arith.index_cast %scan3A_69 : i32 to index
        %get3A_87 = arith.constant 64 : index
        %get3A_88 = tpu.vector_load %arg8[%get3A_86, %get3A_87] {strides = array<i32>} : memref<128x128xf32, #tpu.memory_space<vmem>>, vector<1x16xf32>,
        %get3A_89 = vector.shape_cast %get3A_88 : vector<1x16xf32> to vector<16xf32>
        %get3A_90 = arith.index_cast %scan3A_69 : i32 to index
        %get3A_91 = arith.constant 80 : index
        %get3A_92 = tpu.vector_load %arg8[%get3A_90, %get3A_91] {strides = array<i32>} : memref<128x128xf32, #tpu.memory_space<vmem>>, vector<1x16xf32>,
        %get3A_93 = vector.shape_cast %get3A_92 : vector<1x16xf32> to vector<16xf32>
        %get3A_94 = arith.index_cast %scan3A_69 : i32 to index
        %get3A_95 = arith.constant 96 : index
        %get3A_96 = tpu.vector_load %arg8[%get3A_94, %get3A_95] {strides = array<i32>} : memref<128x128xf32, #tpu.memory_space<vmem>>, vector<1x16xf32>,
        %get3A_97 = vector.shape_cast %get3A_96 : vector<1x16xf32> to vector<16xf32>
        %get3A_98 = arith.index_cast %scan3A_69 : i32 to index
        %get3A_99 = arith.constant 112 : index
        %get3A_100 = tpu.vector_load %arg8[%get3A_98, %get3A_99] {strides = array<i32>} : memref<128x128xf32, #tpu.memory_space<vmem>>, vector<1x16xf32>,
        %get3A_101 = vector.shape_cast %get3A_100 : vector<1x16xf32> to vector<16xf32>
        %add3A_102 = arith.addf %get3A_73, %get3A_77 : vector<16xf32>
        %add3A_103 = arith.addf %get3A_81, %get3A_85 : vector<16xf32>
        %add3A_104 = arith.addf %add3A_102, %add3A_103 : vector<16xf32>
        %add3A_105 = arith.addf %get3A_89, %get3A_93 : vector<16xf32>
        %add3A_106 = arith.addf %get3A_97, %get3A_101 : vector<16xf32>
        %add3A_107 = arith.addf %add3A_105, %add3A_106 : vector<16xf32>
        %mul3A_108 = arith.mulf %get3A_73, %get3A_73 : vector<16xf32>
        %mul3A_109 = arith.mulf %get3A_77, %get3A_77 : vector<16xf32>
        %add3A_110 = arith.addf %mul3A_108, %mul3A_109 : vector<16xf32>
        %mul3A_111 = arith.mulf %get3A_81, %get3A_81 : vector<16xf32>
        %mul3A_112 = arith.mulf %get3A_85, %get3A_85 : vector<16xf32>
        %add3A_113 = arith.addf %mul3A_111, %mul3A_112 : vector<16xf32>
        %add3A_114 = arith.addf %add3A_110, %add3A_113 : vector<16xf32>
        %mul3A_115 = arith.mulf %get3A_89, %get3A_89 : vector<16xf32>
        %mul3A_116 = arith.mulf %get3A_93, %get3A_93 : vector<16xf32>
        %add3A_117 = arith.addf %mul3A_115, %mul3A_116 : vector<16xf32>
        %mul3A_118 = arith.mulf %get3A_97, %get3A_97 : vector<16xf32>
        %mul3A_119 = arith.mulf %get3A_101, %get3A_101 : vector<16xf32>
        %add3A_120 = arith.addf %mul3A_118, %mul3A_119 : vector<16xf32>
        %add3A_121 = arith.addf %add3A_117, %add3A_120 : vector<16xf32>
        %add3A_122 = arith.addf %add3A_104, %add3A_107 : vector<16xf32>
        %iota3A = tpu.iota {dimensions = array<i32: 0>} : vector<16xi32>
        %xor3A = arith.constant 8 : i32
        %xor3A_123 = vector.broadcast %xor3A : i32 to vector<16xi32>
        %xor3A_124 = arith.xori %iota3A, %xor3A_123 : vector<16xi32>
        %lt3A = arith.constant 0 : i32
        %lt3A_125 = vector.broadcast %lt3A : i32 to vector<16xi32>
        %lt3A_126 = arith.cmpi slt, %xor3A_124, %lt3A_125 : vector<16xi32>
        %add3A_127 = arith.constant 16 : i32
        %add3A_128 = vector.broadcast %add3A_127 : i32 to vector<16xi32>
        %add3A_129 = arith.addi %xor3A_124, %add3A_128 : vector<16xi32>
        %select_n3A = arith.select %lt3A_126, %add3A_129, %xor3A_124 : vector<16xi1>, vector<16xi32>
        %broadcast_in_dim3A = vector.shape_cast %select_n3A : vector<16xi32> to vector<16x1xi32>
        %gather3A = vector.shape_cast %broadcast_in_dim3A : vector<16x1xi32> to vector<16xi32>
        %gather3A_130 = tpu.dynamic_gather %add3A_122[%gather3A] in [0] : vector<16xf32>, vector<16xi32> -> vector<16xf32>
        %add3A_131 = arith.addf %add3A_122, %gather3A_130 : vector<16xf32>
        %xor3A_132 = arith.constant 4 : i32
        %xor3A_133 = vector.broadcast %xor3A_132 : i32 to vector<16xi32>
        %xor3A_134 = arith.xori %iota3A, %xor3A_133 : vector<16xi32>
        %lt3A_135 = arith.constant 0 : i32
        %lt3A_136 = vector.broadcast %lt3A_135 : i32 to vector<16xi32>
        %lt3A_137 = arith.cmpi slt, %xor3A_134, %lt3A_136 : vector<16xi32>
        %add3A_138 = arith.constant 16 : i32
        %add3A_139 = vector.broadcast %add3A_138 : i32 to vector<16xi32>
        %add3A_140 = arith.addi %xor3A_134, %add3A_139 : vector<16xi32>
        %select_n3A_141 = arith.select %lt3A_137, %add3A_140, %xor3A_134 : vector<16xi1>, vector<16xi32>
        %broadcast_in_dim3A_142 = vector.shape_cast %select_n3A_141 : vector<16xi32> to vector<16x1xi32>
        %gather3A_143 = vector.shape_cast %broadcast_in_dim3A_142 : vector<16x1xi32> to vector<16xi32>
        %gather3A_144 = tpu.dynamic_gather %add3A_131[%gather3A_143] in [0] : vector<16xf32>, vector<16xi32> -> vector<16xf32>
        %add3A_145 = arith.addf %add3A_131, %gather3A_144 : vector<16xf32>
        %xor3A_146 = arith.constant 2 : i32
        %xor3A_147 = vector.broadcast %xor3A_146 : i32 to vector<16xi32>
        %xor3A_148 = arith.xori %iota3A, %xor3A_147 : vector<16xi32>
        %lt3A_149 = arith.constant 0 : i32
        %lt3A_150 = vector.broadcast %lt3A_149 : i32 to vector<16xi32>
        %lt3A_151 = arith.cmpi slt, %xor3A_148, %lt3A_150 : vector<16xi32>
        %add3A_152 = arith.constant 16 : i32
        %add3A_153 = vector.broadcast %add3A_152 : i32 to vector<16xi32>
        %add3A_154 = arith.addi %xor3A_148, %add3A_153 : vector<16xi32>
        %select_n3A_155 = arith.select %lt3A_151, %add3A_154, %xor3A_148 : vector<16xi1>, vector<16xi32>
        %broadcast_in_dim3A_156 = vector.shape_cast %select_n3A_155 : vector<16xi32> to vector<16x1xi32>
        %gather3A_157 = vector.shape_cast %broadcast_in_dim3A_156 : vector<16x1xi32> to vector<16xi32>
        %gather3A_158 = tpu.dynamic_gather %add3A_145[%gather3A_157] in [0] : vector<16xf32>, vector<16xi32> -> vector<16xf32>
        %add3A_159 = arith.addf %add3A_145, %gather3A_158 : vector<16xf32>
        %xor3A_160 = arith.constant 1 : i32
        %xor3A_161 = vector.broadcast %xor3A_160 : i32 to vector<16xi32>
        %xor3A_162 = arith.xori %iota3A, %xor3A_161 : vector<16xi32>
        %lt3A_163 = arith.constant 0 : i32
        %lt3A_164 = vector.broadcast %lt3A_163 : i32 to vector<16xi32>
        %lt3A_165 = arith.cmpi slt, %xor3A_162, %lt3A_164 : vector<16xi32>
        %add3A_166 = arith.constant 16 : i32
        %add3A_167 = vector.broadcast %add3A_166 : i32 to vector<16xi32>
        %add3A_168 = arith.addi %xor3A_162, %add3A_167 : vector<16xi32>
        %select_n3A_169 = arith.select %lt3A_165, %add3A_168, %xor3A_162 : vector<16xi1>, vector<16xi32>
        %broadcast_in_dim3A_170 = vector.shape_cast %select_n3A_169 : vector<16xi32> to vector<16x1xi32>
        %gather3A_171 = vector.shape_cast %broadcast_in_dim3A_170 : vector<16x1xi32> to vector<16xi32>
        %gather3A_172 = tpu.dynamic_gather %add3A_159[%gather3A_171] in [0] : vector<16xf32>, vector<16xi32> -> vector<16xf32>
        %add3A_173 = arith.addf %add3A_159, %gather3A_172 : vector<16xf32>
        %mul3A_174 = arith.constant 7.812500e-03 : f32
        %mul3A_175 = vector.broadcast %mul3A_174 : f32 to vector<16xf32>
        %mul3A_176 = arith.mulf %add3A_173, %mul3A_175 : vector<16xf32>
        %add3A_177 = arith.addf %add3A_114, %add3A_121 : vector<16xf32>
        %iota3A_178 = tpu.iota {dimensions = array<i32: 0>} : vector<16xi32>
        %xor3A_179 = arith.constant 8 : i32
        %xor3A_180 = vector.broadcast %xor3A_179 : i32 to vector<16xi32>
        %xor3A_181 = arith.xori %iota3A_178, %xor3A_180 : vector<16xi32>
        %lt3A_182 = arith.constant 0 : i32
        %lt3A_183 = vector.broadcast %lt3A_182 : i32 to vector<16xi32>
        %lt3A_184 = arith.cmpi slt, %xor3A_181, %lt3A_183 : vector<16xi32>
        %add3A_185 = arith.constant 16 : i32
        %add3A_186 = vector.broadcast %add3A_185 : i32 to vector<16xi32>
        %add3A_187 = arith.addi %xor3A_181, %add3A_186 : vector<16xi32>
        %select_n3A_188 = arith.select %lt3A_184, %add3A_187, %xor3A_181 : vector<16xi1>, vector<16xi32>
        %broadcast_in_dim3A_189 = vector.shape_cast %select_n3A_188 : vector<16xi32> to vector<16x1xi32>
        %gather3A_190 = vector.shape_cast %broadcast_in_dim3A_189 : vector<16x1xi32> to vector<16xi32>
        %gather3A_191 = tpu.dynamic_gather %add3A_177[%gather3A_190] in [0] : vector<16xf32>, vector<16xi32> -> vector<16xf32>
        %add3A_192 = arith.addf %add3A_177, %gather3A_191 : vector<16xf32>
        %xor3A_193 = arith.constant 4 : i32
        %xor3A_194 = vector.broadcast %xor3A_193 : i32 to vector<16xi32>
        %xor3A_195 = arith.xori %iota3A_178, %xor3A_194 : vector<16xi32>
        %lt3A_196 = arith.constant 0 : i32
        %lt3A_197 = vector.broadcast %lt3A_196 : i32 to vector<16xi32>
        %lt3A_198 = arith.cmpi slt, %xor3A_195, %lt3A_197 : vector<16xi32>
        %add3A_199 = arith.constant 16 : i32
        %add3A_200 = vector.broadcast %add3A_199 : i32 to vector<16xi32>
        %add3A_201 = arith.addi %xor3A_195, %add3A_200 : vector<16xi32>
        %select_n3A_202 = arith.select %lt3A_198, %add3A_201, %xor3A_195 : vector<16xi1>, vector<16xi32>
        %broadcast_in_dim3A_203 = vector.shape_cast %select_n3A_202 : vector<16xi32> to vector<16x1xi32>
        %gather3A_204 = vector.shape_cast %broadcast_in_dim3A_203 : vector<16x1xi32> to vector<16xi32>
        %gather3A_205 = tpu.dynamic_gather %add3A_192[%gather3A_204] in [0] : vector<16xf32>, vector<16xi32> -> vector<16xf32>
        %add3A_206 = arith.addf %add3A_192, %gather3A_205 : vector<16xf32>
        %xor3A_207 = arith.constant 2 : i32
        %xor3A_208 = vector.broadcast %xor3A_207 : i32 to vector<16xi32>
        %xor3A_209 = arith.xori %iota3A_178, %xor3A_208 : vector<16xi32>
        %lt3A_210 = arith.constant 0 : i32
        %lt3A_211 = vector.broadcast %lt3A_210 : i32 to vector<16xi32>
        %lt3A_212 = arith.cmpi slt, %xor3A_209, %lt3A_211 : vector<16xi32>
        %add3A_213 = arith.constant 16 : i32
        %add3A_214 = vector.broadcast %add3A_213 : i32 to vector<16xi32>
        %add3A_215 = arith.addi %xor3A_209, %add3A_214 : vector<16xi32>
        %select_n3A_216 = arith.select %lt3A_212, %add3A_215, %xor3A_209 : vector<16xi1>, vector<16xi32>
        %broadcast_in_dim3A_217 = vector.shape_cast %select_n3A_216 : vector<16xi32> to vector<16x1xi32>
        %gather3A_218 = vector.shape_cast %broadcast_in_dim3A_217 : vector<16x1xi32> to vector<16xi32>
        %gather3A_219 = tpu.dynamic_gather %add3A_206[%gather3A_218] in [0] : vector<16xf32>, vector<16xi32> -> vector<16xf32>
        %add3A_220 = arith.addf %add3A_206, %gather3A_219 : vector<16xf32>
        %xor3A_221 = arith.constant 1 : i32
        %xor3A_222 = vector.broadcast %xor3A_221 : i32 to vector<16xi32>
        %xor3A_223 = arith.xori %iota3A_178, %xor3A_222 : vector<16xi32>
        %lt3A_224 = arith.constant 0 : i32
        %lt3A_225 = vector.broadcast %lt3A_224 : i32 to vector<16xi32>
        %lt3A_226 = arith.cmpi slt, %xor3A_223, %lt3A_225 : vector<16xi32>
        %add3A_227 = arith.constant 16 : i32
        %add3A_228 = vector.broadcast %add3A_227 : i32 to vector<16xi32>
        %add3A_229 = arith.addi %xor3A_223, %add3A_228 : vector<16xi32>
        %select_n3A_230 = arith.select %lt3A_226, %add3A_229, %xor3A_223 : vector<16xi1>, vector<16xi32>
        %broadcast_in_dim3A_231 = vector.shape_cast %select_n3A_230 : vector<16xi32> to vector<16x1xi32>
        %gather3A_232 = vector.shape_cast %broadcast_in_dim3A_231 : vector<16x1xi32> to vector<16xi32>
        %gather3A_233 = tpu.dynamic_gather %add3A_220[%gather3A_232] in [0] : vector<16xf32>, vector<16xi32> -> vector<16xf32>
        %add3A_234 = arith.addf %add3A_220, %gather3A_233 : vector<16xf32>
        %mul3A_235 = arith.constant 7.812500e-03 : f32
        %mul3A_236 = vector.broadcast %mul3A_235 : f32 to vector<16xf32>
        %mul3A_237 = arith.mulf %add3A_234, %mul3A_236 : vector<16xf32>
        %mul3A_238 = arith.mulf %mul3A_176, %mul3A_176 : vector<16xf32>
        %sub3A = arith.subf %mul3A_237, %mul3A_238 : vector<16xf32>
        %add3A_239 = arith.constant 9.99999996E-13 : f32
        %add3A_240 = vector.broadcast %add3A_239 : f32 to vector<16xf32>
        %add3A_241 = arith.addf %sub3A, %add3A_240 : vector<16xf32>
        %bitcast_convert_type3A = tpu.bitcast %add3A_241 : vector<16xf32> -> vector<16xi32>
        %shift_right_logical3A = arith.constant 1 : i32
        %shift_right_logical3A_242 = vector.broadcast %shift_right_logical3A : i32 to vector<16xi32>
        %shift_right_logical3A_243 = arith.shrui %bitcast_convert_type3A, %shift_right_logical3A_242 : vector<16xi32>
        %sub3A_244 = arith.constant 1597463007 : i32
        %sub3A_245 = vector.broadcast %sub3A_244 : i32 to vector<16xi32>
        %sub3A_246 = arith.subi %sub3A_245, %shift_right_logical3A_243 : vector<16xi32>
        %bitcast_convert_type3A_247 = tpu.bitcast %sub3A_246 : vector<16xi32> -> vector<16xf32>
        %mul3A_248 = arith.constant 5.000000e-01 : f32
        %mul3A_249 = vector.broadcast %mul3A_248 : f32 to vector<16xf32>
        %mul3A_250 = arith.mulf %add3A_241, %mul3A_249 : vector<16xf32>
        %mul3A_251 = arith.mulf %mul3A_250, %bitcast_convert_type3A_247 : vector<16xf32>
        %mul3A_252 = arith.mulf %mul3A_251, %bitcast_convert_type3A_247 : vector<16xf32>
        %sub3A_253 = arith.constant 1.500000e+00 : f32
        %sub3A_254 = vector.broadcast %sub3A_253 : f32 to vector<16xf32>
        %sub3A_255 = arith.subf %sub3A_254, %mul3A_252 : vector<16xf32>
        %mul3A_256 = arith.mulf %bitcast_convert_type3A_247, %sub3A_255 : vector<16xf32>
        %mul3A_257 = arith.mulf %mul3A_250, %mul3A_256 : vector<16xf32>
        %mul3A_258 = arith.mulf %mul3A_257, %mul3A_256 : vector<16xf32>
        %sub3A_259 = arith.constant 1.500000e+00 : f32
        %sub3A_260 = vector.broadcast %sub3A_259 : f32 to vector<16xf32>
        %sub3A_261 = arith.subf %sub3A_260, %mul3A_258 : vector<16xf32>
        %mul3A_262 = arith.mulf %mul3A_256, %sub3A_261 : vector<16xf32>
        %mul3A_263 = arith.mulf %mul3A_250, %mul3A_262 : vector<16xf32>
        %mul3A_264 = arith.mulf %mul3A_263, %mul3A_262 : vector<16xf32>
        %sub3A_265 = arith.constant 1.500000e+00 : f32
        %sub3A_266 = vector.broadcast %sub3A_265 : f32 to vector<16xf32>
        %sub3A_267 = arith.subf %sub3A_266, %mul3A_264 : vector<16xf32>
        %mul3A_268 = arith.mulf %mul3A_262, %sub3A_267 : vector<16xf32>
        %neg3A = arith.constant 0.000000e+00 : f32
        %neg3A_269 = vector.broadcast %neg3A : f32 to vector<16xf32>
        %neg3A_270 = arith.subf %neg3A_269, %mul3A_176 : vector<16xf32>
        %mul3A_271 = arith.mulf %neg3A_270, %mul3A_268 : vector<16xf32>
        %mul3A_272 = arith.mulf %get3A_73, %mul3A_268 : vector<16xf32>
        %add3A_273 = arith.addf %mul3A_272, %mul3A_271 : vector<16xf32>
        %mul3A_274 = arith.mulf %add3A_273, %get3A_4 : vector<16xf32>
        %add3A_275 = arith.addf %mul3A_274, %get3A_28 : vector<16xf32>
        %swap3A = arith.index_cast %scan3A_69 : i32 to index
        %swap3A_276 = arith.constant 0 : index
        %swap3A_277 = tpu.vector_load %arg8[%swap3A, %swap3A_276] {strides = array<i32>} : memref<128x128xf32, #tpu.memory_space<vmem>>, vector<1x16xf32>,
        %swap3A_278 = vector.shape_cast %swap3A_277 : vector<1x16xf32> to vector<16xf32>
        %swap3A_279 = vector.shape_cast %add3A_275 : vector<16xf32> to vector<1x16xf32>
        tpu.vector_store %arg8[%swap3A, %swap3A_276], %swap3A_279 {strides = array<i32>} : memref<128x128xf32, #tpu.memory_space<vmem>>, vector<1x16xf32>,
        %mul3A_280 = arith.mulf %get3A_77, %mul3A_268 : vector<16xf32>
        %add3A_281 = arith.addf %mul3A_280, %mul3A_271 : vector<16xf32>
        %mul3A_282 = arith.mulf %add3A_281, %get3A_7 : vector<16xf32>
        %add3A_283 = arith.addf %mul3A_282, %get3A_31 : vector<16xf32>
        %swap3A_284 = arith.index_cast %scan3A_69 : i32 to index
        %swap3A_285 = arith.constant 16 : index
        %swap3A_286 = tpu.vector_load %arg8[%swap3A_284, %swap3A_285] {strides = array<i32>} : memref<128x128xf32, #tpu.memory_space<vmem>>, vector<1x16xf32>,
        %swap3A_287 = vector.shape_cast %swap3A_286 : vector<1x16xf32> to vector<16xf32>
        %swap3A_288 = vector.shape_cast %add3A_283 : vector<16xf32> to vector<1x16xf32>
        tpu.vector_store %arg8[%swap3A_284, %swap3A_285], %swap3A_288 {strides = array<i32>} : memref<128x128xf32, #tpu.memory_space<vmem>>, vector<1x16xf32>,
        %mul3A_289 = arith.mulf %get3A_81, %mul3A_268 : vector<16xf32>
        %add3A_290 = arith.addf %mul3A_289, %mul3A_271 : vector<16xf32>
        %mul3A_291 = arith.mulf %add3A_290, %get3A_10 : vector<16xf32>
        %add3A_292 = arith.addf %mul3A_291, %get3A_34 : vector<16xf32>
        %swap3A_293 = arith.index_cast %scan3A_69 : i32 to index
        %swap3A_294 = arith.constant 32 : index
        %swap3A_295 = tpu.vector_load %arg8[%swap3A_293, %swap3A_294] {strides = array<i32>} : memref<128x128xf32, #tpu.memory_space<vmem>>, vector<1x16xf32>,
        %swap3A_296 = vector.shape_cast %swap3A_295 : vector<1x16xf32> to vector<16xf32>
        %swap3A_297 = vector.shape_cast %add3A_292 : vector<16xf32> to vector<1x16xf32>
        tpu.vector_store %arg8[%swap3A_293, %swap3A_294], %swap3A_297 {strides = array<i32>} : memref<128x128xf32, #tpu.memory_space<vmem>>, vector<1x16xf32>,
        %mul3A_298 = arith.mulf %get3A_85, %mul3A_268 : vector<16xf32>
        %add3A_299 = arith.addf %mul3A_298, %mul3A_271 : vector<16xf32>
        %mul3A_300 = arith.mulf %add3A_299, %get3A_13 : vector<16xf32>
        %add3A_301 = arith.addf %mul3A_300, %get3A_37 : vector<16xf32>
        %swap3A_302 = arith.index_cast %scan3A_69 : i32 to index
        %swap3A_303 = arith.constant 48 : index
        %swap3A_304 = tpu.vector_load %arg8[%swap3A_302, %swap3A_303] {strides = array<i32>} : memref<128x128xf32, #tpu.memory_space<vmem>>, vector<1x16xf32>,
        %swap3A_305 = vector.shape_cast %swap3A_304 : vector<1x16xf32> to vector<16xf32>
        %swap3A_306 = vector.shape_cast %add3A_301 : vector<16xf32> to vector<1x16xf32>
        tpu.vector_store %arg8[%swap3A_302, %swap3A_303], %swap3A_306 {strides = array<i32>} : memref<128x128xf32, #tpu.memory_space<vmem>>, vector<1x16xf32>,
        %mul3A_307 = arith.mulf %get3A_89, %mul3A_268 : vector<16xf32>
        %add3A_308 = arith.addf %mul3A_307, %mul3A_271 : vector<16xf32>
        %mul3A_309 = arith.mulf %add3A_308, %get3A_16 : vector<16xf32>
        %add3A_310 = arith.addf %mul3A_309, %get3A_40 : vector<16xf32>
        %swap3A_311 = arith.index_cast %scan3A_69 : i32 to index
        %swap3A_312 = arith.constant 64 : index
        %swap3A_313 = tpu.vector_load %arg8[%swap3A_311, %swap3A_312] {strides = array<i32>} : memref<128x128xf32, #tpu.memory_space<vmem>>, vector<1x16xf32>,
        %swap3A_314 = vector.shape_cast %swap3A_313 : vector<1x16xf32> to vector<16xf32>
        %swap3A_315 = vector.shape_cast %add3A_310 : vector<16xf32> to vector<1x16xf32>
        tpu.vector_store %arg8[%swap3A_311, %swap3A_312], %swap3A_315 {strides = array<i32>} : memref<128x128xf32, #tpu.memory_space<vmem>>, vector<1x16xf32>,
        %mul3A_316 = arith.mulf %get3A_93, %mul3A_268 : vector<16xf32>
        %add3A_317 = arith.addf %mul3A_316, %mul3A_271 : vector<16xf32>
        %mul3A_318 = arith.mulf %add3A_317, %get3A_19 : vector<16xf32>
        %add3A_319 = arith.addf %mul3A_318, %get3A_43 : vector<16xf32>
        %swap3A_320 = arith.index_cast %scan3A_69 : i32 to index
        %swap3A_321 = arith.constant 80 : index
        %swap3A_322 = tpu.vector_load %arg8[%swap3A_320, %swap3A_321] {strides = array<i32>} : memref<128x128xf32, #tpu.memory_space<vmem>>, vector<1x16xf32>,
        %swap3A_323 = vector.shape_cast %swap3A_322 : vector<1x16xf32> to vector<16xf32>
        %swap3A_324 = vector.shape_cast %add3A_319 : vector<16xf32> to vector<1x16xf32>
        tpu.vector_store %arg8[%swap3A_320, %swap3A_321], %swap3A_324 {strides = array<i32>} : memref<128x128xf32, #tpu.memory_space<vmem>>, vector<1x16xf32>,
        %mul3A_325 = arith.mulf %get3A_97, %mul3A_268 : vector<16xf32>
        %add3A_326 = arith.addf %mul3A_325, %mul3A_271 : vector<16xf32>
        %mul3A_327 = arith.mulf %add3A_326, %get3A_22 : vector<16xf32>
        %add3A_328 = arith.addf %mul3A_327, %get3A_46 : vector<16xf32>
        %swap3A_329 = arith.index_cast %scan3A_69 : i32 to index
        %swap3A_330 = arith.constant 96 : index
        %swap3A_331 = tpu.vector_load %arg8[%swap3A_329, %swap3A_330] {strides = array<i32>} : memref<128x128xf32, #tpu.memory_space<vmem>>, vector<1x16xf32>,
        %swap3A_332 = vector.shape_cast %swap3A_331 : vector<1x16xf32> to vector<16xf32>
        %swap3A_333 = vector.shape_cast %add3A_328 : vector<16xf32> to vector<1x16xf32>
        tpu.vector_store %arg8[%swap3A_329, %swap3A_330], %swap3A_333 {strides = array<i32>} : memref<128x128xf32, #tpu.memory_space<vmem>>, vector<1x16xf32>,
        %mul3A_334 = arith.mulf %get3A_101, %mul3A_268 : vector<16xf32>
        %add3A_335 = arith.addf %mul3A_334, %mul3A_271 : vector<16xf32>
        %mul3A_336 = arith.mulf %add3A_335, %get3A_25 : vector<16xf32>
        %add3A_337 = arith.addf %mul3A_336, %get3A_49 : vector<16xf32>
        %swap3A_338 = arith.index_cast %scan3A_69 : i32 to index
        %swap3A_339 = arith.constant 112 : index
        %swap3A_340 = tpu.vector_load %arg8[%swap3A_338, %swap3A_339] {strides = array<i32>} : memref<128x128xf32, #tpu.memory_space<vmem>>, vector<1x16xf32>,
        %swap3A_341 = vector.shape_cast %swap3A_340 : vector<1x16xf32> to vector<16xf32>
        %swap3A_342 = vector.shape_cast %add3A_337 : vector<16xf32> to vector<1x16xf32>
        tpu.vector_store %arg8[%swap3A_338, %swap3A_339], %swap3A_342 {strides = array<i32>} : memref<128x128xf32, #tpu.memory_space<vmem>>, vector<1x16xf32>,
        %scan3A_343 = arith.constant 1 : i32
        %scan3A_344 = arith.addi %scan3A_69, %scan3A_343 : i32
        %get3A_345 = arith.index_cast %scan3A_344 : i32 to index
        %get3A_346 = arith.constant 0 : index
        %get3A_347 = tpu.vector_load %arg8[%get3A_345, %get3A_346] {strides = array<i32>} : memref<128x128xf32, #tpu.memory_space<vmem>>, vector<1x16xf32>,
        %get3A_348 = vector.shape_cast %get3A_347 : vector<1x16xf32> to vector<16xf32>
        %get3A_349 = arith.index_cast %scan3A_344 : i32 to index
        %get3A_350 = arith.constant 16 : index
        %get3A_351 = tpu.vector_load %arg8[%get3A_349, %get3A_350] {strides = array<i32>} : memref<128x128xf32, #tpu.memory_space<vmem>>, vector<1x16xf32>,
        %get3A_352 = vector.shape_cast %get3A_351 : vector<1x16xf32> to vector<16xf32>
        %get3A_353 = arith.index_cast %scan3A_344 : i32 to index
        %get3A_354 = arith.constant 32 : index
        %get3A_355 = tpu.vector_load %arg8[%get3A_353, %get3A_354] {strides = array<i32>} : memref<128x128xf32, #tpu.memory_space<vmem>>, vector<1x16xf32>,
        %get3A_356 = vector.shape_cast %get3A_355 : vector<1x16xf32> to vector<16xf32>
        %get3A_357 = arith.index_cast %scan3A_344 : i32 to index
        %get3A_358 = arith.constant 48 : index
        %get3A_359 = tpu.vector_load %arg8[%get3A_357, %get3A_358] {strides = array<i32>} : memref<128x128xf32, #tpu.memory_space<vmem>>, vector<1x16xf32>,
        %get3A_360 = vector.shape_cast %get3A_359 : vector<1x16xf32> to vector<16xf32>
        %get3A_361 = arith.index_cast %scan3A_344 : i32 to index
        %get3A_362 = arith.constant 64 : index
        %get3A_363 = tpu.vector_load %arg8[%get3A_361, %get3A_362] {strides = array<i32>} : memref<128x128xf32, #tpu.memory_space<vmem>>, vector<1x16xf32>,
        %get3A_364 = vector.shape_cast %get3A_363 : vector<1x16xf32> to vector<16xf32>
        %get3A_365 = arith.index_cast %scan3A_344 : i32 to index
        %get3A_366 = arith.constant 80 : index
        %get3A_367 = tpu.vector_load %arg8[%get3A_365, %get3A_366] {strides = array<i32>} : memref<128x128xf32, #tpu.memory_space<vmem>>, vector<1x16xf32>,
        %get3A_368 = vector.shape_cast %get3A_367 : vector<1x16xf32> to vector<16xf32>
        %get3A_369 = arith.index_cast %scan3A_344 : i32 to index
        %get3A_370 = arith.constant 96 : index
        %get3A_371 = tpu.vector_load %arg8[%get3A_369, %get3A_370] {strides = array<i32>} : memref<128x128xf32, #tpu.memory_space<vmem>>, vector<1x16xf32>,
        %get3A_372 = vector.shape_cast %get3A_371 : vector<1x16xf32> to vector<16xf32>
        %get3A_373 = arith.index_cast %scan3A_344 : i32 to index
        %get3A_374 = arith.constant 112 : index
        %get3A_375 = tpu.vector_load %arg8[%get3A_373, %get3A_374] {strides = array<i32>} : memref<128x128xf32, #tpu.memory_space<vmem>>, vector<1x16xf32>,
        %get3A_376 = vector.shape_cast %get3A_375 : vector<1x16xf32> to vector<16xf32>
        %add3A_377 = arith.addf %get3A_348, %get3A_352 : vector<16xf32>
        %add3A_378 = arith.addf %get3A_356, %get3A_360 : vector<16xf32>
        %add3A_379 = arith.addf %add3A_377, %add3A_378 : vector<16xf32>
        %add3A_380 = arith.addf %get3A_364, %get3A_368 : vector<16xf32>
        %add3A_381 = arith.addf %get3A_372, %get3A_376 : vector<16xf32>
        %add3A_382 = arith.addf %add3A_380, %add3A_381 : vector<16xf32>
        %mul3A_383 = arith.mulf %get3A_348, %get3A_348 : vector<16xf32>
        %mul3A_384 = arith.mulf %get3A_352, %get3A_352 : vector<16xf32>
        %add3A_385 = arith.addf %mul3A_383, %mul3A_384 : vector<16xf32>
        %mul3A_386 = arith.mulf %get3A_356, %get3A_356 : vector<16xf32>
        %mul3A_387 = arith.mulf %get3A_360, %get3A_360 : vector<16xf32>
        %add3A_388 = arith.addf %mul3A_386, %mul3A_387 : vector<16xf32>
        %add3A_389 = arith.addf %add3A_385, %add3A_388 : vector<16xf32>
        %mul3A_390 = arith.mulf %get3A_364, %get3A_364 : vector<16xf32>
        %mul3A_391 = arith.mulf %get3A_368, %get3A_368 : vector<16xf32>
        %add3A_392 = arith.addf %mul3A_390, %mul3A_391 : vector<16xf32>
        %mul3A_393 = arith.mulf %get3A_372, %get3A_372 : vector<16xf32>
        %mul3A_394 = arith.mulf %get3A_376, %get3A_376 : vector<16xf32>
        %add3A_395 = arith.addf %mul3A_393, %mul3A_394 : vector<16xf32>
        %add3A_396 = arith.addf %add3A_392, %add3A_395 : vector<16xf32>
        %add3A_397 = arith.addf %add3A_379, %add3A_382 : vector<16xf32>
        %iota3A_398 = tpu.iota {dimensions = array<i32: 0>} : vector<16xi32>
        %xor3A_399 = arith.constant 8 : i32
        %xor3A_400 = vector.broadcast %xor3A_399 : i32 to vector<16xi32>
        %xor3A_401 = arith.xori %iota3A_398, %xor3A_400 : vector<16xi32>
        %lt3A_402 = arith.constant 0 : i32
        %lt3A_403 = vector.broadcast %lt3A_402 : i32 to vector<16xi32>
        %lt3A_404 = arith.cmpi slt, %xor3A_401, %lt3A_403 : vector<16xi32>
        %add3A_405 = arith.constant 16 : i32
        %add3A_406 = vector.broadcast %add3A_405 : i32 to vector<16xi32>
        %add3A_407 = arith.addi %xor3A_401, %add3A_406 : vector<16xi32>
        %select_n3A_408 = arith.select %lt3A_404, %add3A_407, %xor3A_401 : vector<16xi1>, vector<16xi32>
        %broadcast_in_dim3A_409 = vector.shape_cast %select_n3A_408 : vector<16xi32> to vector<16x1xi32>
        %gather3A_410 = vector.shape_cast %broadcast_in_dim3A_409 : vector<16x1xi32> to vector<16xi32>
        %gather3A_411 = tpu.dynamic_gather %add3A_397[%gather3A_410] in [0] : vector<16xf32>, vector<16xi32> -> vector<16xf32>
        %add3A_412 = arith.addf %add3A_397, %gather3A_411 : vector<16xf32>
        %xor3A_413 = arith.constant 4 : i32
        %xor3A_414 = vector.broadcast %xor3A_413 : i32 to vector<16xi32>
        %xor3A_415 = arith.xori %iota3A_398, %xor3A_414 : vector<16xi32>
        %lt3A_416 = arith.constant 0 : i32
        %lt3A_417 = vector.broadcast %lt3A_416 : i32 to vector<16xi32>
        %lt3A_418 = arith.cmpi slt, %xor3A_415, %lt3A_417 : vector<16xi32>
        %add3A_419 = arith.constant 16 : i32
        %add3A_420 = vector.broadcast %add3A_419 : i32 to vector<16xi32>
        %add3A_421 = arith.addi %xor3A_415, %add3A_420 : vector<16xi32>
        %select_n3A_422 = arith.select %lt3A_418, %add3A_421, %xor3A_415 : vector<16xi1>, vector<16xi32>
        %broadcast_in_dim3A_423 = vector.shape_cast %select_n3A_422 : vector<16xi32> to vector<16x1xi32>
        %gather3A_424 = vector.shape_cast %broadcast_in_dim3A_423 : vector<16x1xi32> to vector<16xi32>
        %gather3A_425 = tpu.dynamic_gather %add3A_412[%gather3A_424] in [0] : vector<16xf32>, vector<16xi32> -> vector<16xf32>
        %add3A_426 = arith.addf %add3A_412, %gather3A_425 : vector<16xf32>
        %xor3A_427 = arith.constant 2 : i32
        %xor3A_428 = vector.broadcast %xor3A_427 : i32 to vector<16xi32>
        %xor3A_429 = arith.xori %iota3A_398, %xor3A_428 : vector<16xi32>
        %lt3A_430 = arith.constant 0 : i32
        %lt3A_431 = vector.broadcast %lt3A_430 : i32 to vector<16xi32>
        %lt3A_432 = arith.cmpi slt, %xor3A_429, %lt3A_431 : vector<16xi32>
        %add3A_433 = arith.constant 16 : i32
        %add3A_434 = vector.broadcast %add3A_433 : i32 to vector<16xi32>
        %add3A_435 = arith.addi %xor3A_429, %add3A_434 : vector<16xi32>
        %select_n3A_436 = arith.select %lt3A_432, %add3A_435, %xor3A_429 : vector<16xi1>, vector<16xi32>
        %broadcast_in_dim3A_437 = vector.shape_cast %select_n3A_436 : vector<16xi32> to vector<16x1xi32>
        %gather3A_438 = vector.shape_cast %broadcast_in_dim3A_437 : vector<16x1xi32> to vector<16xi32>
        %gather3A_439 = tpu.dynamic_gather %add3A_426[%gather3A_438] in [0] : vector<16xf32>, vector<16xi32> -> vector<16xf32>
        %add3A_440 = arith.addf %add3A_426, %gather3A_439 : vector<16xf32>
        %xor3A_441 = arith.constant 1 : i32
        %xor3A_442 = vector.broadcast %xor3A_441 : i32 to vector<16xi32>
        %xor3A_443 = arith.xori %iota3A_398, %xor3A_442 : vector<16xi32>
        %lt3A_444 = arith.constant 0 : i32
        %lt3A_445 = vector.broadcast %lt3A_444 : i32 to vector<16xi32>
        %lt3A_446 = arith.cmpi slt, %xor3A_443, %lt3A_445 : vector<16xi32>
        %add3A_447 = arith.constant 16 : i32
        %add3A_448 = vector.broadcast %add3A_447 : i32 to vector<16xi32>
        %add3A_449 = arith.addi %xor3A_443, %add3A_448 : vector<16xi32>
        %select_n3A_450 = arith.select %lt3A_446, %add3A_449, %xor3A_443 : vector<16xi1>, vector<16xi32>
        %broadcast_in_dim3A_451 = vector.shape_cast %select_n3A_450 : vector<16xi32> to vector<16x1xi32>
        %gather3A_452 = vector.shape_cast %broadcast_in_dim3A_451 : vector<16x1xi32> to vector<16xi32>
        %gather3A_453 = tpu.dynamic_gather %add3A_440[%gather3A_452] in [0] : vector<16xf32>, vector<16xi32> -> vector<16xf32>
        %add3A_454 = arith.addf %add3A_440, %gather3A_453 : vector<16xf32>
        %mul3A_455 = arith.constant 7.812500e-03 : f32
        %mul3A_456 = vector.broadcast %mul3A_455 : f32 to vector<16xf32>
        %mul3A_457 = arith.mulf %add3A_454, %mul3A_456 : vector<16xf32>
        %add3A_458 = arith.addf %add3A_389, %add3A_396 : vector<16xf32>
        %iota3A_459 = tpu.iota {dimensions = array<i32: 0>} : vector<16xi32>
        %xor3A_460 = arith.constant 8 : i32
        %xor3A_461 = vector.broadcast %xor3A_460 : i32 to vector<16xi32>
        %xor3A_462 = arith.xori %iota3A_459, %xor3A_461 : vector<16xi32>
        %lt3A_463 = arith.constant 0 : i32
        %lt3A_464 = vector.broadcast %lt3A_463 : i32 to vector<16xi32>
        %lt3A_465 = arith.cmpi slt, %xor3A_462, %lt3A_464 : vector<16xi32>
        %add3A_466 = arith.constant 16 : i32
        %add3A_467 = vector.broadcast %add3A_466 : i32 to vector<16xi32>
        %add3A_468 = arith.addi %xor3A_462, %add3A_467 : vector<16xi32>
        %select_n3A_469 = arith.select %lt3A_465, %add3A_468, %xor3A_462 : vector<16xi1>, vector<16xi32>
        %broadcast_in_dim3A_470 = vector.shape_cast %select_n3A_469 : vector<16xi32> to vector<16x1xi32>
        %gather3A_471 = vector.shape_cast %broadcast_in_dim3A_470 : vector<16x1xi32> to vector<16xi32>
        %gather3A_472 = tpu.dynamic_gather %add3A_458[%gather3A_471] in [0] : vector<16xf32>, vector<16xi32> -> vector<16xf32>
        %add3A_473 = arith.addf %add3A_458, %gather3A_472 : vector<16xf32>
        %xor3A_474 = arith.constant 4 : i32
        %xor3A_475 = vector.broadcast %xor3A_474 : i32 to vector<16xi32>
        %xor3A_476 = arith.xori %iota3A_459, %xor3A_475 : vector<16xi32>
        %lt3A_477 = arith.constant 0 : i32
        %lt3A_478 = vector.broadcast %lt3A_477 : i32 to vector<16xi32>
        %lt3A_479 = arith.cmpi slt, %xor3A_476, %lt3A_478 : vector<16xi32>
        %add3A_480 = arith.constant 16 : i32
        %add3A_481 = vector.broadcast %add3A_480 : i32 to vector<16xi32>
        %add3A_482 = arith.addi %xor3A_476, %add3A_481 : vector<16xi32>
        %select_n3A_483 = arith.select %lt3A_479, %add3A_482, %xor3A_476 : vector<16xi1>, vector<16xi32>
        %broadcast_in_dim3A_484 = vector.shape_cast %select_n3A_483 : vector<16xi32> to vector<16x1xi32>
        %gather3A_485 = vector.shape_cast %broadcast_in_dim3A_484 : vector<16x1xi32> to vector<16xi32>
        %gather3A_486 = tpu.dynamic_gather %add3A_473[%gather3A_485] in [0] : vector<16xf32>, vector<16xi32> -> vector<16xf32>
        %add3A_487 = arith.addf %add3A_473, %gather3A_486 : vector<16xf32>
        %xor3A_488 = arith.constant 2 : i32
        %xor3A_489 = vector.broadcast %xor3A_488 : i32 to vector<16xi32>
        %xor3A_490 = arith.xori %iota3A_459, %xor3A_489 : vector<16xi32>
        %lt3A_491 = arith.constant 0 : i32
        %lt3A_492 = vector.broadcast %lt3A_491 : i32 to vector<16xi32>
        %lt3A_493 = arith.cmpi slt, %xor3A_490, %lt3A_492 : vector<16xi32>
        %add3A_494 = arith.constant 16 : i32
        %add3A_495 = vector.broadcast %add3A_494 : i32 to vector<16xi32>
        %add3A_496 = arith.addi %xor3A_490, %add3A_495 : vector<16xi32>
        %select_n3A_497 = arith.select %lt3A_493, %add3A_496, %xor3A_490 : vector<16xi1>, vector<16xi32>
        %broadcast_in_dim3A_498 = vector.shape_cast %select_n3A_497 : vector<16xi32> to vector<16x1xi32>
        %gather3A_499 = vector.shape_cast %broadcast_in_dim3A_498 : vector<16x1xi32> to vector<16xi32>
        %gather3A_500 = tpu.dynamic_gather %add3A_487[%gather3A_499] in [0] : vector<16xf32>, vector<16xi32> -> vector<16xf32>
        %add3A_501 = arith.addf %add3A_487, %gather3A_500 : vector<16xf32>
        %xor3A_502 = arith.constant 1 : i32
        %xor3A_503 = vector.broadcast %xor3A_502 : i32 to vector<16xi32>
        %xor3A_504 = arith.xori %iota3A_459, %xor3A_503 : vector<16xi32>
        %lt3A_505 = arith.constant 0 : i32
        %lt3A_506 = vector.broadcast %lt3A_505 : i32 to vector<16xi32>
        %lt3A_507 = arith.cmpi slt, %xor3A_504, %lt3A_506 : vector<16xi32>
        %add3A_508 = arith.constant 16 : i32
        %add3A_509 = vector.broadcast %add3A_508 : i32 to vector<16xi32>
        %add3A_510 = arith.addi %xor3A_504, %add3A_509 : vector<16xi32>
        %select_n3A_511 = arith.select %lt3A_507, %add3A_510, %xor3A_504 : vector<16xi1>, vector<16xi32>
        %broadcast_in_dim3A_512 = vector.shape_cast %select_n3A_511 : vector<16xi32> to vector<16x1xi32>
        %gather3A_513 = vector.shape_cast %broadcast_in_dim3A_512 : vector<16x1xi32> to vector<16xi32>
        %gather3A_514 = tpu.dynamic_gather %add3A_501[%gather3A_513] in [0] : vector<16xf32>, vector<16xi32> -> vector<16xf32>
        %add3A_515 = arith.addf %add3A_501, %gather3A_514 : vector<16xf32>
        %mul3A_516 = arith.constant 7.812500e-03 : f32
        %mul3A_517 = vector.broadcast %mul3A_516 : f32 to vector<16xf32>
        %mul3A_518 = arith.mulf %add3A_515, %mul3A_517 : vector<16xf32>
        %mul3A_519 = arith.mulf %mul3A_457, %mul3A_457 : vector<16xf32>
        %sub3A_520 = arith.subf %mul3A_518, %mul3A_519 : vector<16xf32>
        %add3A_521 = arith.constant 9.99999996E-13 : f32
        %add3A_522 = vector.broadcast %add3A_521 : f32 to vector<16xf32>
        %add3A_523 = arith.addf %sub3A_520, %add3A_522 : vector<16xf32>
        %bitcast_convert_type3A_524 = tpu.bitcast %add3A_523 : vector<16xf32> -> vector<16xi32>
        %shift_right_logical3A_525 = arith.constant 1 : i32
        %shift_right_logical3A_526 = vector.broadcast %shift_right_logical3A_525 : i32 to vector<16xi32>
        %shift_right_logical3A_527 = arith.shrui %bitcast_convert_type3A_524, %shift_right_logical3A_526 : vector<16xi32>
        %sub3A_528 = arith.constant 1597463007 : i32
        %sub3A_529 = vector.broadcast %sub3A_528 : i32 to vector<16xi32>
        %sub3A_530 = arith.subi %sub3A_529, %shift_right_logical3A_527 : vector<16xi32>
        %bitcast_convert_type3A_531 = tpu.bitcast %sub3A_530 : vector<16xi32> -> vector<16xf32>
        %mul3A_532 = arith.constant 5.000000e-01 : f32
        %mul3A_533 = vector.broadcast %mul3A_532 : f32 to vector<16xf32>
        %mul3A_534 = arith.mulf %add3A_523, %mul3A_533 : vector<16xf32>
        %mul3A_535 = arith.mulf %mul3A_534, %bitcast_convert_type3A_531 : vector<16xf32>
        %mul3A_536 = arith.mulf %mul3A_535, %bitcast_convert_type3A_531 : vector<16xf32>
        %sub3A_537 = arith.constant 1.500000e+00 : f32
        %sub3A_538 = vector.broadcast %sub3A_537 : f32 to vector<16xf32>
        %sub3A_539 = arith.subf %sub3A_538, %mul3A_536 : vector<16xf32>
        %mul3A_540 = arith.mulf %bitcast_convert_type3A_531, %sub3A_539 : vector<16xf32>
        %mul3A_541 = arith.mulf %mul3A_534, %mul3A_540 : vector<16xf32>
        %mul3A_542 = arith.mulf %mul3A_541, %mul3A_540 : vector<16xf32>
        %sub3A_543 = arith.constant 1.500000e+00 : f32
        %sub3A_544 = vector.broadcast %sub3A_543 : f32 to vector<16xf32>
        %sub3A_545 = arith.subf %sub3A_544, %mul3A_542 : vector<16xf32>
        %mul3A_546 = arith.mulf %mul3A_540, %sub3A_545 : vector<16xf32>
        %mul3A_547 = arith.mulf %mul3A_534, %mul3A_546 : vector<16xf32>
        %mul3A_548 = arith.mulf %mul3A_547, %mul3A_546 : vector<16xf32>
        %sub3A_549 = arith.constant 1.500000e+00 : f32
        %sub3A_550 = vector.broadcast %sub3A_549 : f32 to vector<16xf32>
        %sub3A_551 = arith.subf %sub3A_550, %mul3A_548 : vector<16xf32>
        %mul3A_552 = arith.mulf %mul3A_546, %sub3A_551 : vector<16xf32>
        %neg3A_553 = arith.constant 0.000000e+00 : f32
        %neg3A_554 = vector.broadcast %neg3A_553 : f32 to vector<16xf32>
        %neg3A_555 = arith.subf %neg3A_554, %mul3A_457 : vector<16xf32>
        %mul3A_556 = arith.mulf %neg3A_555, %mul3A_552 : vector<16xf32>
        %mul3A_557 = arith.mulf %get3A_348, %mul3A_552 : vector<16xf32>
        %add3A_558 = arith.addf %mul3A_557, %mul3A_556 : vector<16xf32>
        %mul3A_559 = arith.mulf %add3A_558, %get3A_4 : vector<16xf32>
        %add3A_560 = arith.addf %mul3A_559, %get3A_28 : vector<16xf32>
        %swap3A_561 = arith.index_cast %scan3A_344 : i32 to index
        %swap3A_562 = arith.constant 0 : index
        %swap3A_563 = tpu.vector_load %arg8[%swap3A_561, %swap3A_562] {strides = array<i32>} : memref<128x128xf32, #tpu.memory_space<vmem>>, vector<1x16xf32>,
        %swap3A_564 = vector.shape_cast %swap3A_563 : vector<1x16xf32> to vector<16xf32>
        %swap3A_565 = vector.shape_cast %add3A_560 : vector<16xf32> to vector<1x16xf32>
        tpu.vector_store %arg8[%swap3A_561, %swap3A_562], %swap3A_565 {strides = array<i32>} : memref<128x128xf32, #tpu.memory_space<vmem>>, vector<1x16xf32>,
        %mul3A_566 = arith.mulf %get3A_352, %mul3A_552 : vector<16xf32>
        %add3A_567 = arith.addf %mul3A_566, %mul3A_556 : vector<16xf32>
        %mul3A_568 = arith.mulf %add3A_567, %get3A_7 : vector<16xf32>
        %add3A_569 = arith.addf %mul3A_568, %get3A_31 : vector<16xf32>
        %swap3A_570 = arith.index_cast %scan3A_344 : i32 to index
        %swap3A_571 = arith.constant 16 : index
        %swap3A_572 = tpu.vector_load %arg8[%swap3A_570, %swap3A_571] {strides = array<i32>} : memref<128x128xf32, #tpu.memory_space<vmem>>, vector<1x16xf32>,
        %swap3A_573 = vector.shape_cast %swap3A_572 : vector<1x16xf32> to vector<16xf32>
        %swap3A_574 = vector.shape_cast %add3A_569 : vector<16xf32> to vector<1x16xf32>
        tpu.vector_store %arg8[%swap3A_570, %swap3A_571], %swap3A_574 {strides = array<i32>} : memref<128x128xf32, #tpu.memory_space<vmem>>, vector<1x16xf32>,
        %mul3A_575 = arith.mulf %get3A_356, %mul3A_552 : vector<16xf32>
        %add3A_576 = arith.addf %mul3A_575, %mul3A_556 : vector<16xf32>
        %mul3A_577 = arith.mulf %add3A_576, %get3A_10 : vector<16xf32>
        %add3A_578 = arith.addf %mul3A_577, %get3A_34 : vector<16xf32>
        %swap3A_579 = arith.index_cast %scan3A_344 : i32 to index
        %swap3A_580 = arith.constant 32 : index
        %swap3A_581 = tpu.vector_load %arg8[%swap3A_579, %swap3A_580] {strides = array<i32>} : memref<128x128xf32, #tpu.memory_space<vmem>>, vector<1x16xf32>,
        %swap3A_582 = vector.shape_cast %swap3A_581 : vector<1x16xf32> to vector<16xf32>
        %swap3A_583 = vector.shape_cast %add3A_578 : vector<16xf32> to vector<1x16xf32>
        tpu.vector_store %arg8[%swap3A_579, %swap3A_580], %swap3A_583 {strides = array<i32>} : memref<128x128xf32, #tpu.memory_space<vmem>>, vector<1x16xf32>,
        %mul3A_584 = arith.mulf %get3A_360, %mul3A_552 : vector<16xf32>
        %add3A_585 = arith.addf %mul3A_584, %mul3A_556 : vector<16xf32>
        %mul3A_586 = arith.mulf %add3A_585, %get3A_13 : vector<16xf32>
        %add3A_587 = arith.addf %mul3A_586, %get3A_37 : vector<16xf32>
        %swap3A_588 = arith.index_cast %scan3A_344 : i32 to index
        %swap3A_589 = arith.constant 48 : index
        %swap3A_590 = tpu.vector_load %arg8[%swap3A_588, %swap3A_589] {strides = array<i32>} : memref<128x128xf32, #tpu.memory_space<vmem>>, vector<1x16xf32>,
        %swap3A_591 = vector.shape_cast %swap3A_590 : vector<1x16xf32> to vector<16xf32>
        %swap3A_592 = vector.shape_cast %add3A_587 : vector<16xf32> to vector<1x16xf32>
        tpu.vector_store %arg8[%swap3A_588, %swap3A_589], %swap3A_592 {strides = array<i32>} : memref<128x128xf32, #tpu.memory_space<vmem>>, vector<1x16xf32>,
        %mul3A_593 = arith.mulf %get3A_364, %mul3A_552 : vector<16xf32>
        %add3A_594 = arith.addf %mul3A_593, %mul3A_556 : vector<16xf32>
        %mul3A_595 = arith.mulf %add3A_594, %get3A_16 : vector<16xf32>
        %add3A_596 = arith.addf %mul3A_595, %get3A_40 : vector<16xf32>
        %swap3A_597 = arith.index_cast %scan3A_344 : i32 to index
        %swap3A_598 = arith.constant 64 : index
        %swap3A_599 = tpu.vector_load %arg8[%swap3A_597, %swap3A_598] {strides = array<i32>} : memref<128x128xf32, #tpu.memory_space<vmem>>, vector<1x16xf32>,
        %swap3A_600 = vector.shape_cast %swap3A_599 : vector<1x16xf32> to vector<16xf32>
        %swap3A_601 = vector.shape_cast %add3A_596 : vector<16xf32> to vector<1x16xf32>
        tpu.vector_store %arg8[%swap3A_597, %swap3A_598], %swap3A_601 {strides = array<i32>} : memref<128x128xf32, #tpu.memory_space<vmem>>, vector<1x16xf32>,
        %mul3A_602 = arith.mulf %get3A_368, %mul3A_552 : vector<16xf32>
        %add3A_603 = arith.addf %mul3A_602, %mul3A_556 : vector<16xf32>
        %mul3A_604 = arith.mulf %add3A_603, %get3A_19 : vector<16xf32>
        %add3A_605 = arith.addf %mul3A_604, %get3A_43 : vector<16xf32>
        %swap3A_606 = arith.index_cast %scan3A_344 : i32 to index
        %swap3A_607 = arith.constant 80 : index
        %swap3A_608 = tpu.vector_load %arg8[%swap3A_606, %swap3A_607] {strides = array<i32>} : memref<128x128xf32, #tpu.memory_space<vmem>>, vector<1x16xf32>,
        %swap3A_609 = vector.shape_cast %swap3A_608 : vector<1x16xf32> to vector<16xf32>
        %swap3A_610 = vector.shape_cast %add3A_605 : vector<16xf32> to vector<1x16xf32>
        tpu.vector_store %arg8[%swap3A_606, %swap3A_607], %swap3A_610 {strides = array<i32>} : memref<128x128xf32, #tpu.memory_space<vmem>>, vector<1x16xf32>,
        %mul3A_611 = arith.mulf %get3A_372, %mul3A_552 : vector<16xf32>
        %add3A_612 = arith.addf %mul3A_611, %mul3A_556 : vector<16xf32>
        %mul3A_613 = arith.mulf %add3A_612, %get3A_22 : vector<16xf32>
        %add3A_614 = arith.addf %mul3A_613, %get3A_46 : vector<16xf32>
        %swap3A_615 = arith.index_cast %scan3A_344 : i32 to index
        %swap3A_616 = arith.constant 96 : index
        %swap3A_617 = tpu.vector_load %arg8[%swap3A_615, %swap3A_616] {strides = array<i32>} : memref<128x128xf32, #tpu.memory_space<vmem>>, vector<1x16xf32>,
        %swap3A_618 = vector.shape_cast %swap3A_617 : vector<1x16xf32> to vector<16xf32>
        %swap3A_619 = vector.shape_cast %add3A_614 : vector<16xf32> to vector<1x16xf32>
        tpu.vector_store %arg8[%swap3A_615, %swap3A_616], %swap3A_619 {strides = array<i32>} : memref<128x128xf32, #tpu.memory_space<vmem>>, vector<1x16xf32>,
        %mul3A_620 = arith.mulf %get3A_376, %mul3A_552 : vector<16xf32>
        %add3A_621 = arith.addf %mul3A_620, %mul3A_556 : vector<16xf32>
        %mul3A_622 = arith.mulf %add3A_621, %get3A_25 : vector<16xf32>
        %add3A_623 = arith.addf %mul3A_622, %get3A_49 : vector<16xf32>
        %swap3A_624 = arith.index_cast %scan3A_344 : i32 to index
        %swap3A_625 = arith.constant 112 : index
        %swap3A_626 = tpu.vector_load %arg8[%swap3A_624, %swap3A_625] {strides = array<i32>} : memref<128x128xf32, #tpu.memory_space<vmem>>, vector<1x16xf32>,
        %swap3A_627 = vector.shape_cast %swap3A_626 : vector<1x16xf32> to vector<16xf32>
        %swap3A_628 = vector.shape_cast %add3A_623 : vector<16xf32> to vector<1x16xf32>
        tpu.vector_store %arg8[%swap3A_624, %swap3A_625], %swap3A_628 {strides = array<i32>} : memref<128x128xf32, #tpu.memory_space<vmem>>, vector<1x16xf32>,
        %scan3A_629 = arith.constant 2 : i32
        %scan3A_630 = arith.addi %scan3A_69, %scan3A_629 : i32
        %get3A_631 = arith.index_cast %scan3A_630 : i32 to index
        %get3A_632 = arith.constant 0 : index
        %get3A_633 = tpu.vector_load %arg8[%get3A_631, %get3A_632] {strides = array<i32>} : memref<128x128xf32, #tpu.memory_space<vmem>>, vector<1x16xf32>,
        %get3A_634 = vector.shape_cast %get3A_633 : vector<1x16xf32> to vector<16xf32>
        %get3A_635 = arith.index_cast %scan3A_630 : i32 to index
        %get3A_636 = arith.constant 16 : index
        %get3A_637 = tpu.vector_load %arg8[%get3A_635, %get3A_636] {strides = array<i32>} : memref<128x128xf32, #tpu.memory_space<vmem>>, vector<1x16xf32>,
        %get3A_638 = vector.shape_cast %get3A_637 : vector<1x16xf32> to vector<16xf32>
        %get3A_639 = arith.index_cast %scan3A_630 : i32 to index
        %get3A_640 = arith.constant 32 : index
        %get3A_641 = tpu.vector_load %arg8[%get3A_639, %get3A_640] {strides = array<i32>} : memref<128x128xf32, #tpu.memory_space<vmem>>, vector<1x16xf32>,
        %get3A_642 = vector.shape_cast %get3A_641 : vector<1x16xf32> to vector<16xf32>
        %get3A_643 = arith.index_cast %scan3A_630 : i32 to index
        %get3A_644 = arith.constant 48 : index
        %get3A_645 = tpu.vector_load %arg8[%get3A_643, %get3A_644] {strides = array<i32>} : memref<128x128xf32, #tpu.memory_space<vmem>>, vector<1x16xf32>,
        %get3A_646 = vector.shape_cast %get3A_645 : vector<1x16xf32> to vector<16xf32>
        %get3A_647 = arith.index_cast %scan3A_630 : i32 to index
        %get3A_648 = arith.constant 64 : index
        %get3A_649 = tpu.vector_load %arg8[%get3A_647, %get3A_648] {strides = array<i32>} : memref<128x128xf32, #tpu.memory_space<vmem>>, vector<1x16xf32>,
        %get3A_650 = vector.shape_cast %get3A_649 : vector<1x16xf32> to vector<16xf32>
        %get3A_651 = arith.index_cast %scan3A_630 : i32 to index
        %get3A_652 = arith.constant 80 : index
        %get3A_653 = tpu.vector_load %arg8[%get3A_651, %get3A_652] {strides = array<i32>} : memref<128x128xf32, #tpu.memory_space<vmem>>, vector<1x16xf32>,
        %get3A_654 = vector.shape_cast %get3A_653 : vector<1x16xf32> to vector<16xf32>
        %get3A_655 = arith.index_cast %scan3A_630 : i32 to index
        %get3A_656 = arith.constant 96 : index
        %get3A_657 = tpu.vector_load %arg8[%get3A_655, %get3A_656] {strides = array<i32>} : memref<128x128xf32, #tpu.memory_space<vmem>>, vector<1x16xf32>,
        %get3A_658 = vector.shape_cast %get3A_657 : vector<1x16xf32> to vector<16xf32>
        %get3A_659 = arith.index_cast %scan3A_630 : i32 to index
        %get3A_660 = arith.constant 112 : index
        %get3A_661 = tpu.vector_load %arg8[%get3A_659, %get3A_660] {strides = array<i32>} : memref<128x128xf32, #tpu.memory_space<vmem>>, vector<1x16xf32>,
        %get3A_662 = vector.shape_cast %get3A_661 : vector<1x16xf32> to vector<16xf32>
        %add3A_663 = arith.addf %get3A_634, %get3A_638 : vector<16xf32>
        %add3A_664 = arith.addf %get3A_642, %get3A_646 : vector<16xf32>
        %add3A_665 = arith.addf %add3A_663, %add3A_664 : vector<16xf32>
        %add3A_666 = arith.addf %get3A_650, %get3A_654 : vector<16xf32>
        %add3A_667 = arith.addf %get3A_658, %get3A_662 : vector<16xf32>
        %add3A_668 = arith.addf %add3A_666, %add3A_667 : vector<16xf32>
        %mul3A_669 = arith.mulf %get3A_634, %get3A_634 : vector<16xf32>
        %mul3A_670 = arith.mulf %get3A_638, %get3A_638 : vector<16xf32>
        %add3A_671 = arith.addf %mul3A_669, %mul3A_670 : vector<16xf32>
        %mul3A_672 = arith.mulf %get3A_642, %get3A_642 : vector<16xf32>
        %mul3A_673 = arith.mulf %get3A_646, %get3A_646 : vector<16xf32>
        %add3A_674 = arith.addf %mul3A_672, %mul3A_673 : vector<16xf32>
        %add3A_675 = arith.addf %add3A_671, %add3A_674 : vector<16xf32>
        %mul3A_676 = arith.mulf %get3A_650, %get3A_650 : vector<16xf32>
        %mul3A_677 = arith.mulf %get3A_654, %get3A_654 : vector<16xf32>
        %add3A_678 = arith.addf %mul3A_676, %mul3A_677 : vector<16xf32>
        %mul3A_679 = arith.mulf %get3A_658, %get3A_658 : vector<16xf32>
        %mul3A_680 = arith.mulf %get3A_662, %get3A_662 : vector<16xf32>
        %add3A_681 = arith.addf %mul3A_679, %mul3A_680 : vector<16xf32>
        %add3A_682 = arith.addf %add3A_678, %add3A_681 : vector<16xf32>
        %add3A_683 = arith.addf %add3A_665, %add3A_668 : vector<16xf32>
        %iota3A_684 = tpu.iota {dimensions = array<i32: 0>} : vector<16xi32>
        %xor3A_685 = arith.constant 8 : i32
        %xor3A_686 = vector.broadcast %xor3A_685 : i32 to vector<16xi32>
        %xor3A_687 = arith.xori %iota3A_684, %xor3A_686 : vector<16xi32>
        %lt3A_688 = arith.constant 0 : i32
        %lt3A_689 = vector.broadcast %lt3A_688 : i32 to vector<16xi32>
        %lt3A_690 = arith.cmpi slt, %xor3A_687, %lt3A_689 : vector<16xi32>
        %add3A_691 = arith.constant 16 : i32
        %add3A_692 = vector.broadcast %add3A_691 : i32 to vector<16xi32>
        %add3A_693 = arith.addi %xor3A_687, %add3A_692 : vector<16xi32>
        %select_n3A_694 = arith.select %lt3A_690, %add3A_693, %xor3A_687 : vector<16xi1>, vector<16xi32>
        %broadcast_in_dim3A_695 = vector.shape_cast %select_n3A_694 : vector<16xi32> to vector<16x1xi32>
        %gather3A_696 = vector.shape_cast %broadcast_in_dim3A_695 : vector<16x1xi32> to vector<16xi32>
        %gather3A_697 = tpu.dynamic_gather %add3A_683[%gather3A_696] in [0] : vector<16xf32>, vector<16xi32> -> vector<16xf32>
        %add3A_698 = arith.addf %add3A_683, %gather3A_697 : vector<16xf32>
        %xor3A_699 = arith.constant 4 : i32
        %xor3A_700 = vector.broadcast %xor3A_699 : i32 to vector<16xi32>
        %xor3A_701 = arith.xori %iota3A_684, %xor3A_700 : vector<16xi32>
        %lt3A_702 = arith.constant 0 : i32
        %lt3A_703 = vector.broadcast %lt3A_702 : i32 to vector<16xi32>
        %lt3A_704 = arith.cmpi slt, %xor3A_701, %lt3A_703 : vector<16xi32>
        %add3A_705 = arith.constant 16 : i32
        %add3A_706 = vector.broadcast %add3A_705 : i32 to vector<16xi32>
        %add3A_707 = arith.addi %xor3A_701, %add3A_706 : vector<16xi32>
        %select_n3A_708 = arith.select %lt3A_704, %add3A_707, %xor3A_701 : vector<16xi1>, vector<16xi32>
        %broadcast_in_dim3A_709 = vector.shape_cast %select_n3A_708 : vector<16xi32> to vector<16x1xi32>
        %gather3A_710 = vector.shape_cast %broadcast_in_dim3A_709 : vector<16x1xi32> to vector<16xi32>
        %gather3A_711 = tpu.dynamic_gather %add3A_698[%gather3A_710] in [0] : vector<16xf32>, vector<16xi32> -> vector<16xf32>
        %add3A_712 = arith.addf %add3A_698, %gather3A_711 : vector<16xf32>
        %xor3A_713 = arith.constant 2 : i32
        %xor3A_714 = vector.broadcast %xor3A_713 : i32 to vector<16xi32>
        %xor3A_715 = arith.xori %iota3A_684, %xor3A_714 : vector<16xi32>
        %lt3A_716 = arith.constant 0 : i32
        %lt3A_717 = vector.broadcast %lt3A_716 : i32 to vector<16xi32>
        %lt3A_718 = arith.cmpi slt, %xor3A_715, %lt3A_717 : vector<16xi32>
        %add3A_719 = arith.constant 16 : i32
        %add3A_720 = vector.broadcast %add3A_719 : i32 to vector<16xi32>
        %add3A_721 = arith.addi %xor3A_715, %add3A_720 : vector<16xi32>
        %select_n3A_722 = arith.select %lt3A_718, %add3A_721, %xor3A_715 : vector<16xi1>, vector<16xi32>
        %broadcast_in_dim3A_723 = vector.shape_cast %select_n3A_722 : vector<16xi32> to vector<16x1xi32>
        %gather3A_724 = vector.shape_cast %broadcast_in_dim3A_723 : vector<16x1xi32> to vector<16xi32>
        %gather3A_725 = tpu.dynamic_gather %add3A_712[%gather3A_724] in [0] : vector<16xf32>, vector<16xi32> -> vector<16xf32>
        %add3A_726 = arith.addf %add3A_712, %gather3A_725 : vector<16xf32>
        %xor3A_727 = arith.constant 1 : i32
        %xor3A_728 = vector.broadcast %xor3A_727 : i32 to vector<16xi32>
        %xor3A_729 = arith.xori %iota3A_684, %xor3A_728 : vector<16xi32>
        %lt3A_730 = arith.constant 0 : i32
        %lt3A_731 = vector.broadcast %lt3A_730 : i32 to vector<16xi32>
        %lt3A_732 = arith.cmpi slt, %xor3A_729, %lt3A_731 : vector<16xi32>
        %add3A_733 = arith.constant 16 : i32
        %add3A_734 = vector.broadcast %add3A_733 : i32 to vector<16xi32>
        %add3A_735 = arith.addi %xor3A_729, %add3A_734 : vector<16xi32>
        %select_n3A_736 = arith.select %lt3A_732, %add3A_735, %xor3A_729 : vector<16xi1>, vector<16xi32>
        %broadcast_in_dim3A_737 = vector.shape_cast %select_n3A_736 : vector<16xi32> to vector<16x1xi32>
        %gather3A_738 = vector.shape_cast %broadcast_in_dim3A_737 : vector<16x1xi32> to vector<16xi32>
        %gather3A_739 = tpu.dynamic_gather %add3A_726[%gather3A_738] in [0] : vector<16xf32>, vector<16xi32> -> vector<16xf32>
        %add3A_740 = arith.addf %add3A_726, %gather3A_739 : vector<16xf32>
        %mul3A_741 = arith.constant 7.812500e-03 : f32
        %mul3A_742 = vector.broadcast %mul3A_741 : f32 to vector<16xf32>
        %mul3A_743 = arith.mulf %add3A_740, %mul3A_742 : vector<16xf32>
        %add3A_744 = arith.addf %add3A_675, %add3A_682 : vector<16xf32>
        %iota3A_745 = tpu.iota {dimensions = array<i32: 0>} : vector<16xi32>
        %xor3A_746 = arith.constant 8 : i32
        %xor3A_747 = vector.broadcast %xor3A_746 : i32 to vector<16xi32>
        %xor3A_748 = arith.xori %iota3A_745, %xor3A_747 : vector<16xi32>
        %lt3A_749 = arith.constant 0 : i32
        %lt3A_750 = vector.broadcast %lt3A_749 : i32 to vector<16xi32>
        %lt3A_751 = arith.cmpi slt, %xor3A_748, %lt3A_750 : vector<16xi32>
        %add3A_752 = arith.constant 16 : i32
        %add3A_753 = vector.broadcast %add3A_752 : i32 to vector<16xi32>
        %add3A_754 = arith.addi %xor3A_748, %add3A_753 : vector<16xi32>
        %select_n3A_755 = arith.select %lt3A_751, %add3A_754, %xor3A_748 : vector<16xi1>, vector<16xi32>
        %broadcast_in_dim3A_756 = vector.shape_cast %select_n3A_755 : vector<16xi32> to vector<16x1xi32>
        %gather3A_757 = vector.shape_cast %broadcast_in_dim3A_756 : vector<16x1xi32> to vector<16xi32>
        %gather3A_758 = tpu.dynamic_gather %add3A_744[%gather3A_757] in [0] : vector<16xf32>, vector<16xi32> -> vector<16xf32>
        %add3A_759 = arith.addf %add3A_744, %gather3A_758 : vector<16xf32>
        %xor3A_760 = arith.constant 4 : i32
        %xor3A_761 = vector.broadcast %xor3A_760 : i32 to vector<16xi32>
        %xor3A_762 = arith.xori %iota3A_745, %xor3A_761 : vector<16xi32>
        %lt3A_763 = arith.constant 0 : i32
        %lt3A_764 = vector.broadcast %lt3A_763 : i32 to vector<16xi32>
        %lt3A_765 = arith.cmpi slt, %xor3A_762, %lt3A_764 : vector<16xi32>
        %add3A_766 = arith.constant 16 : i32
        %add3A_767 = vector.broadcast %add3A_766 : i32 to vector<16xi32>
        %add3A_768 = arith.addi %xor3A_762, %add3A_767 : vector<16xi32>
        %select_n3A_769 = arith.select %lt3A_765, %add3A_768, %xor3A_762 : vector<16xi1>, vector<16xi32>
        %broadcast_in_dim3A_770 = vector.shape_cast %select_n3A_769 : vector<16xi32> to vector<16x1xi32>
        %gather3A_771 = vector.shape_cast %broadcast_in_dim3A_770 : vector<16x1xi32> to vector<16xi32>
        %gather3A_772 = tpu.dynamic_gather %add3A_759[%gather3A_771] in [0] : vector<16xf32>, vector<16xi32> -> vector<16xf32>
        %add3A_773 = arith.addf %add3A_759, %gather3A_772 : vector<16xf32>
        %xor3A_774 = arith.constant 2 : i32
        %xor3A_775 = vector.broadcast %xor3A_774 : i32 to vector<16xi32>
        %xor3A_776 = arith.xori %iota3A_745, %xor3A_775 : vector<16xi32>
        %lt3A_777 = arith.constant 0 : i32
        %lt3A_778 = vector.broadcast %lt3A_777 : i32 to vector<16xi32>
        %lt3A_779 = arith.cmpi slt, %xor3A_776, %lt3A_778 : vector<16xi32>
        %add3A_780 = arith.constant 16 : i32
        %add3A_781 = vector.broadcast %add3A_780 : i32 to vector<16xi32>
        %add3A_782 = arith.addi %xor3A_776, %add3A_781 : vector<16xi32>
        %select_n3A_783 = arith.select %lt3A_779, %add3A_782, %xor3A_776 : vector<16xi1>, vector<16xi32>
        %broadcast_in_dim3A_784 = vector.shape_cast %select_n3A_783 : vector<16xi32> to vector<16x1xi32>
        %gather3A_785 = vector.shape_cast %broadcast_in_dim3A_784 : vector<16x1xi32> to vector<16xi32>
        %gather3A_786 = tpu.dynamic_gather %add3A_773[%gather3A_785] in [0] : vector<16xf32>, vector<16xi32> -> vector<16xf32>
        %add3A_787 = arith.addf %add3A_773, %gather3A_786 : vector<16xf32>
        %xor3A_788 = arith.constant 1 : i32
        %xor3A_789 = vector.broadcast %xor3A_788 : i32 to vector<16xi32>
        %xor3A_790 = arith.xori %iota3A_745, %xor3A_789 : vector<16xi32>
        %lt3A_791 = arith.constant 0 : i32
        %lt3A_792 = vector.broadcast %lt3A_791 : i32 to vector<16xi32>
        %lt3A_793 = arith.cmpi slt, %xor3A_790, %lt3A_792 : vector<16xi32>
        %add3A_794 = arith.constant 16 : i32
        %add3A_795 = vector.broadcast %add3A_794 : i32 to vector<16xi32>
        %add3A_796 = arith.addi %xor3A_790, %add3A_795 : vector<16xi32>
        %select_n3A_797 = arith.select %lt3A_793, %add3A_796, %xor3A_790 : vector<16xi1>, vector<16xi32>
        %broadcast_in_dim3A_798 = vector.shape_cast %select_n3A_797 : vector<16xi32> to vector<16x1xi32>
        %gather3A_799 = vector.shape_cast %broadcast_in_dim3A_798 : vector<16x1xi32> to vector<16xi32>
        %gather3A_800 = tpu.dynamic_gather %add3A_787[%gather3A_799] in [0] : vector<16xf32>, vector<16xi32> -> vector<16xf32>
        %add3A_801 = arith.addf %add3A_787, %gather3A_800 : vector<16xf32>
        %mul3A_802 = arith.constant 7.812500e-03 : f32
        %mul3A_803 = vector.broadcast %mul3A_802 : f32 to vector<16xf32>
        %mul3A_804 = arith.mulf %add3A_801, %mul3A_803 : vector<16xf32>
        %mul3A_805 = arith.mulf %mul3A_743, %mul3A_743 : vector<16xf32>
        %sub3A_806 = arith.subf %mul3A_804, %mul3A_805 : vector<16xf32>
        %add3A_807 = arith.constant 9.99999996E-13 : f32
        %add3A_808 = vector.broadcast %add3A_807 : f32 to vector<16xf32>
        %add3A_809 = arith.addf %sub3A_806, %add3A_808 : vector<16xf32>
        %bitcast_convert_type3A_810 = tpu.bitcast %add3A_809 : vector<16xf32> -> vector<16xi32>
        %shift_right_logical3A_811 = arith.constant 1 : i32
        %shift_right_logical3A_812 = vector.broadcast %shift_right_logical3A_811 : i32 to vector<16xi32>
        %shift_right_logical3A_813 = arith.shrui %bitcast_convert_type3A_810, %shift_right_logical3A_812 : vector<16xi32>
        %sub3A_814 = arith.constant 1597463007 : i32
        %sub3A_815 = vector.broadcast %sub3A_814 : i32 to vector<16xi32>
        %sub3A_816 = arith.subi %sub3A_815, %shift_right_logical3A_813 : vector<16xi32>
        %bitcast_convert_type3A_817 = tpu.bitcast %sub3A_816 : vector<16xi32> -> vector<16xf32>
        %mul3A_818 = arith.constant 5.000000e-01 : f32
        %mul3A_819 = vector.broadcast %mul3A_818 : f32 to vector<16xf32>
        %mul3A_820 = arith.mulf %add3A_809, %mul3A_819 : vector<16xf32>
        %mul3A_821 = arith.mulf %mul3A_820, %bitcast_convert_type3A_817 : vector<16xf32>
        %mul3A_822 = arith.mulf %mul3A_821, %bitcast_convert_type3A_817 : vector<16xf32>
        %sub3A_823 = arith.constant 1.500000e+00 : f32
        %sub3A_824 = vector.broadcast %sub3A_823 : f32 to vector<16xf32>
        %sub3A_825 = arith.subf %sub3A_824, %mul3A_822 : vector<16xf32>
        %mul3A_826 = arith.mulf %bitcast_convert_type3A_817, %sub3A_825 : vector<16xf32>
        %mul3A_827 = arith.mulf %mul3A_820, %mul3A_826 : vector<16xf32>
        %mul3A_828 = arith.mulf %mul3A_827, %mul3A_826 : vector<16xf32>
        %sub3A_829 = arith.constant 1.500000e+00 : f32
        %sub3A_830 = vector.broadcast %sub3A_829 : f32 to vector<16xf32>
        %sub3A_831 = arith.subf %sub3A_830, %mul3A_828 : vector<16xf32>
        %mul3A_832 = arith.mulf %mul3A_826, %sub3A_831 : vector<16xf32>
        %mul3A_833 = arith.mulf %mul3A_820, %mul3A_832 : vector<16xf32>
        %mul3A_834 = arith.mulf %mul3A_833, %mul3A_832 : vector<16xf32>
        %sub3A_835 = arith.constant 1.500000e+00 : f32
        %sub3A_836 = vector.broadcast %sub3A_835 : f32 to vector<16xf32>
        %sub3A_837 = arith.subf %sub3A_836, %mul3A_834 : vector<16xf32>
        %mul3A_838 = arith.mulf %mul3A_832, %sub3A_837 : vector<16xf32>
        %neg3A_839 = arith.constant 0.000000e+00 : f32
        %neg3A_840 = vector.broadcast %neg3A_839 : f32 to vector<16xf32>
        %neg3A_841 = arith.subf %neg3A_840, %mul3A_743 : vector<16xf32>
        %mul3A_842 = arith.mulf %neg3A_841, %mul3A_838 : vector<16xf32>
        %mul3A_843 = arith.mulf %get3A_634, %mul3A_838 : vector<16xf32>
        %add3A_844 = arith.addf %mul3A_843, %mul3A_842 : vector<16xf32>
        %mul3A_845 = arith.mulf %add3A_844, %get3A_4 : vector<16xf32>
        %add3A_846 = arith.addf %mul3A_845, %get3A_28 : vector<16xf32>
        %swap3A_847 = arith.index_cast %scan3A_630 : i32 to index
        %swap3A_848 = arith.constant 0 : index
        %swap3A_849 = tpu.vector_load %arg8[%swap3A_847, %swap3A_848] {strides = array<i32>} : memref<128x128xf32, #tpu.memory_space<vmem>>, vector<1x16xf32>,
        %swap3A_850 = vector.shape_cast %swap3A_849 : vector<1x16xf32> to vector<16xf32>
        %swap3A_851 = vector.shape_cast %add3A_846 : vector<16xf32> to vector<1x16xf32>
        tpu.vector_store %arg8[%swap3A_847, %swap3A_848], %swap3A_851 {strides = array<i32>} : memref<128x128xf32, #tpu.memory_space<vmem>>, vector<1x16xf32>,
        %mul3A_852 = arith.mulf %get3A_638, %mul3A_838 : vector<16xf32>
        %add3A_853 = arith.addf %mul3A_852, %mul3A_842 : vector<16xf32>
        %mul3A_854 = arith.mulf %add3A_853, %get3A_7 : vector<16xf32>
        %add3A_855 = arith.addf %mul3A_854, %get3A_31 : vector<16xf32>
        %swap3A_856 = arith.index_cast %scan3A_630 : i32 to index
        %swap3A_857 = arith.constant 16 : index
        %swap3A_858 = tpu.vector_load %arg8[%swap3A_856, %swap3A_857] {strides = array<i32>} : memref<128x128xf32, #tpu.memory_space<vmem>>, vector<1x16xf32>,
        %swap3A_859 = vector.shape_cast %swap3A_858 : vector<1x16xf32> to vector<16xf32>
        %swap3A_860 = vector.shape_cast %add3A_855 : vector<16xf32> to vector<1x16xf32>
        tpu.vector_store %arg8[%swap3A_856, %swap3A_857], %swap3A_860 {strides = array<i32>} : memref<128x128xf32, #tpu.memory_space<vmem>>, vector<1x16xf32>,
        %mul3A_861 = arith.mulf %get3A_642, %mul3A_838 : vector<16xf32>
        %add3A_862 = arith.addf %mul3A_861, %mul3A_842 : vector<16xf32>
        %mul3A_863 = arith.mulf %add3A_862, %get3A_10 : vector<16xf32>
        %add3A_864 = arith.addf %mul3A_863, %get3A_34 : vector<16xf32>
        %swap3A_865 = arith.index_cast %scan3A_630 : i32 to index
        %swap3A_866 = arith.constant 32 : index
        %swap3A_867 = tpu.vector_load %arg8[%swap3A_865, %swap3A_866] {strides = array<i32>} : memref<128x128xf32, #tpu.memory_space<vmem>>, vector<1x16xf32>,
        %swap3A_868 = vector.shape_cast %swap3A_867 : vector<1x16xf32> to vector<16xf32>
        %swap3A_869 = vector.shape_cast %add3A_864 : vector<16xf32> to vector<1x16xf32>
        tpu.vector_store %arg8[%swap3A_865, %swap3A_866], %swap3A_869 {strides = array<i32>} : memref<128x128xf32, #tpu.memory_space<vmem>>, vector<1x16xf32>,
        %mul3A_870 = arith.mulf %get3A_646, %mul3A_838 : vector<16xf32>
        %add3A_871 = arith.addf %mul3A_870, %mul3A_842 : vector<16xf32>
        %mul3A_872 = arith.mulf %add3A_871, %get3A_13 : vector<16xf32>
        %add3A_873 = arith.addf %mul3A_872, %get3A_37 : vector<16xf32>
        %swap3A_874 = arith.index_cast %scan3A_630 : i32 to index
        %swap3A_875 = arith.constant 48 : index
        %swap3A_876 = tpu.vector_load %arg8[%swap3A_874, %swap3A_875] {strides = array<i32>} : memref<128x128xf32, #tpu.memory_space<vmem>>, vector<1x16xf32>,
        %swap3A_877 = vector.shape_cast %swap3A_876 : vector<1x16xf32> to vector<16xf32>
        %swap3A_878 = vector.shape_cast %add3A_873 : vector<16xf32> to vector<1x16xf32>
        tpu.vector_store %arg8[%swap3A_874, %swap3A_875], %swap3A_878 {strides = array<i32>} : memref<128x128xf32, #tpu.memory_space<vmem>>, vector<1x16xf32>,
        %mul3A_879 = arith.mulf %get3A_650, %mul3A_838 : vector<16xf32>
        %add3A_880 = arith.addf %mul3A_879, %mul3A_842 : vector<16xf32>
        %mul3A_881 = arith.mulf %add3A_880, %get3A_16 : vector<16xf32>
        %add3A_882 = arith.addf %mul3A_881, %get3A_40 : vector<16xf32>
        %swap3A_883 = arith.index_cast %scan3A_630 : i32 to index
        %swap3A_884 = arith.constant 64 : index
        %swap3A_885 = tpu.vector_load %arg8[%swap3A_883, %swap3A_884] {strides = array<i32>} : memref<128x128xf32, #tpu.memory_space<vmem>>, vector<1x16xf32>,
        %swap3A_886 = vector.shape_cast %swap3A_885 : vector<1x16xf32> to vector<16xf32>
        %swap3A_887 = vector.shape_cast %add3A_882 : vector<16xf32> to vector<1x16xf32>
        tpu.vector_store %arg8[%swap3A_883, %swap3A_884], %swap3A_887 {strides = array<i32>} : memref<128x128xf32, #tpu.memory_space<vmem>>, vector<1x16xf32>,
        %mul3A_888 = arith.mulf %get3A_654, %mul3A_838 : vector<16xf32>
        %add3A_889 = arith.addf %mul3A_888, %mul3A_842 : vector<16xf32>
        %mul3A_890 = arith.mulf %add3A_889, %get3A_19 : vector<16xf32>
        %add3A_891 = arith.addf %mul3A_890, %get3A_43 : vector<16xf32>
        %swap3A_892 = arith.index_cast %scan3A_630 : i32 to index
        %swap3A_893 = arith.constant 80 : index
        %swap3A_894 = tpu.vector_load %arg8[%swap3A_892, %swap3A_893] {strides = array<i32>} : memref<128x128xf32, #tpu.memory_space<vmem>>, vector<1x16xf32>,
        %swap3A_895 = vector.shape_cast %swap3A_894 : vector<1x16xf32> to vector<16xf32>
        %swap3A_896 = vector.shape_cast %add3A_891 : vector<16xf32> to vector<1x16xf32>
        tpu.vector_store %arg8[%swap3A_892, %swap3A_893], %swap3A_896 {strides = array<i32>} : memref<128x128xf32, #tpu.memory_space<vmem>>, vector<1x16xf32>,
        %mul3A_897 = arith.mulf %get3A_658, %mul3A_838 : vector<16xf32>
        %add3A_898 = arith.addf %mul3A_897, %mul3A_842 : vector<16xf32>
        %mul3A_899 = arith.mulf %add3A_898, %get3A_22 : vector<16xf32>
        %add3A_900 = arith.addf %mul3A_899, %get3A_46 : vector<16xf32>
        %swap3A_901 = arith.index_cast %scan3A_630 : i32 to index
        %swap3A_902 = arith.constant 96 : index
        %swap3A_903 = tpu.vector_load %arg8[%swap3A_901, %swap3A_902] {strides = array<i32>} : memref<128x128xf32, #tpu.memory_space<vmem>>, vector<1x16xf32>,
        %swap3A_904 = vector.shape_cast %swap3A_903 : vector<1x16xf32> to vector<16xf32>
        %swap3A_905 = vector.shape_cast %add3A_900 : vector<16xf32> to vector<1x16xf32>
        tpu.vector_store %arg8[%swap3A_901, %swap3A_902], %swap3A_905 {strides = array<i32>} : memref<128x128xf32, #tpu.memory_space<vmem>>, vector<1x16xf32>,
        %mul3A_906 = arith.mulf %get3A_662, %mul3A_838 : vector<16xf32>
        %add3A_907 = arith.addf %mul3A_906, %mul3A_842 : vector<16xf32>
        %mul3A_908 = arith.mulf %add3A_907, %get3A_25 : vector<16xf32>
        %add3A_909 = arith.addf %mul3A_908, %get3A_49 : vector<16xf32>
        %swap3A_910 = arith.index_cast %scan3A_630 : i32 to index
        %swap3A_911 = arith.constant 112 : index
        %swap3A_912 = tpu.vector_load %arg8[%swap3A_910, %swap3A_911] {strides = array<i32>} : memref<128x128xf32, #tpu.memory_space<vmem>>, vector<1x16xf32>,
        %swap3A_913 = vector.shape_cast %swap3A_912 : vector<1x16xf32> to vector<16xf32>
        %swap3A_914 = vector.shape_cast %add3A_909 : vector<16xf32> to vector<1x16xf32>
        tpu.vector_store %arg8[%swap3A_910, %swap3A_911], %swap3A_914 {strides = array<i32>} : memref<128x128xf32, #tpu.memory_space<vmem>>, vector<1x16xf32>,
        %scan3A_915 = arith.constant 3 : i32
        %scan3A_916 = arith.addi %scan3A_69, %scan3A_915 : i32
        %get3A_917 = arith.index_cast %scan3A_916 : i32 to index
        %get3A_918 = arith.constant 0 : index
        %get3A_919 = tpu.vector_load %arg8[%get3A_917, %get3A_918] {strides = array<i32>} : memref<128x128xf32, #tpu.memory_space<vmem>>, vector<1x16xf32>,
        %get3A_920 = vector.shape_cast %get3A_919 : vector<1x16xf32> to vector<16xf32>
        %get3A_921 = arith.index_cast %scan3A_916 : i32 to index
        %get3A_922 = arith.constant 16 : index
        %get3A_923 = tpu.vector_load %arg8[%get3A_921, %get3A_922] {strides = array<i32>} : memref<128x128xf32, #tpu.memory_space<vmem>>, vector<1x16xf32>,
        %get3A_924 = vector.shape_cast %get3A_923 : vector<1x16xf32> to vector<16xf32>
        %get3A_925 = arith.index_cast %scan3A_916 : i32 to index
        %get3A_926 = arith.constant 32 : index
        %get3A_927 = tpu.vector_load %arg8[%get3A_925, %get3A_926] {strides = array<i32>} : memref<128x128xf32, #tpu.memory_space<vmem>>, vector<1x16xf32>,
        %get3A_928 = vector.shape_cast %get3A_927 : vector<1x16xf32> to vector<16xf32>
        %get3A_929 = arith.index_cast %scan3A_916 : i32 to index
        %get3A_930 = arith.constant 48 : index
        %get3A_931 = tpu.vector_load %arg8[%get3A_929, %get3A_930] {strides = array<i32>} : memref<128x128xf32, #tpu.memory_space<vmem>>, vector<1x16xf32>,
        %get3A_932 = vector.shape_cast %get3A_931 : vector<1x16xf32> to vector<16xf32>
        %get3A_933 = arith.index_cast %scan3A_916 : i32 to index
        %get3A_934 = arith.constant 64 : index
        %get3A_935 = tpu.vector_load %arg8[%get3A_933, %get3A_934] {strides = array<i32>} : memref<128x128xf32, #tpu.memory_space<vmem>>, vector<1x16xf32>,
        %get3A_936 = vector.shape_cast %get3A_935 : vector<1x16xf32> to vector<16xf32>
        %get3A_937 = arith.index_cast %scan3A_916 : i32 to index
        %get3A_938 = arith.constant 80 : index
        %get3A_939 = tpu.vector_load %arg8[%get3A_937, %get3A_938] {strides = array<i32>} : memref<128x128xf32, #tpu.memory_space<vmem>>, vector<1x16xf32>,
        %get3A_940 = vector.shape_cast %get3A_939 : vector<1x16xf32> to vector<16xf32>
        %get3A_941 = arith.index_cast %scan3A_916 : i32 to index
        %get3A_942 = arith.constant 96 : index
        %get3A_943 = tpu.vector_load %arg8[%get3A_941, %get3A_942] {strides = array<i32>} : memref<128x128xf32, #tpu.memory_space<vmem>>, vector<1x16xf32>,
        %get3A_944 = vector.shape_cast %get3A_943 : vector<1x16xf32> to vector<16xf32>
        %get3A_945 = arith.index_cast %scan3A_916 : i32 to index
        %get3A_946 = arith.constant 112 : index
        %get3A_947 = tpu.vector_load %arg8[%get3A_945, %get3A_946] {strides = array<i32>} : memref<128x128xf32, #tpu.memory_space<vmem>>, vector<1x16xf32>,
        %get3A_948 = vector.shape_cast %get3A_947 : vector<1x16xf32> to vector<16xf32>
        %add3A_949 = arith.addf %get3A_920, %get3A_924 : vector<16xf32>
        %add3A_950 = arith.addf %get3A_928, %get3A_932 : vector<16xf32>
        %add3A_951 = arith.addf %add3A_949, %add3A_950 : vector<16xf32>
        %add3A_952 = arith.addf %get3A_936, %get3A_940 : vector<16xf32>
        %add3A_953 = arith.addf %get3A_944, %get3A_948 : vector<16xf32>
        %add3A_954 = arith.addf %add3A_952, %add3A_953 : vector<16xf32>
        %mul3A_955 = arith.mulf %get3A_920, %get3A_920 : vector<16xf32>
        %mul3A_956 = arith.mulf %get3A_924, %get3A_924 : vector<16xf32>
        %add3A_957 = arith.addf %mul3A_955, %mul3A_956 : vector<16xf32>
        %mul3A_958 = arith.mulf %get3A_928, %get3A_928 : vector<16xf32>
        %mul3A_959 = arith.mulf %get3A_932, %get3A_932 : vector<16xf32>
        %add3A_960 = arith.addf %mul3A_958, %mul3A_959 : vector<16xf32>
        %add3A_961 = arith.addf %add3A_957, %add3A_960 : vector<16xf32>
        %mul3A_962 = arith.mulf %get3A_936, %get3A_936 : vector<16xf32>
        %mul3A_963 = arith.mulf %get3A_940, %get3A_940 : vector<16xf32>
        %add3A_964 = arith.addf %mul3A_962, %mul3A_963 : vector<16xf32>
        %mul3A_965 = arith.mulf %get3A_944, %get3A_944 : vector<16xf32>
        %mul3A_966 = arith.mulf %get3A_948, %get3A_948 : vector<16xf32>
        %add3A_967 = arith.addf %mul3A_965, %mul3A_966 : vector<16xf32>
        %add3A_968 = arith.addf %add3A_964, %add3A_967 : vector<16xf32>
        %add3A_969 = arith.addf %add3A_951, %add3A_954 : vector<16xf32>
        %iota3A_970 = tpu.iota {dimensions = array<i32: 0>} : vector<16xi32>
        %xor3A_971 = arith.constant 8 : i32
        %xor3A_972 = vector.broadcast %xor3A_971 : i32 to vector<16xi32>
        %xor3A_973 = arith.xori %iota3A_970, %xor3A_972 : vector<16xi32>
        %lt3A_974 = arith.constant 0 : i32
        %lt3A_975 = vector.broadcast %lt3A_974 : i32 to vector<16xi32>
        %lt3A_976 = arith.cmpi slt, %xor3A_973, %lt3A_975 : vector<16xi32>
        %add3A_977 = arith.constant 16 : i32
        %add3A_978 = vector.broadcast %add3A_977 : i32 to vector<16xi32>
        %add3A_979 = arith.addi %xor3A_973, %add3A_978 : vector<16xi32>
        %select_n3A_980 = arith.select %lt3A_976, %add3A_979, %xor3A_973 : vector<16xi1>, vector<16xi32>
        %broadcast_in_dim3A_981 = vector.shape_cast %select_n3A_980 : vector<16xi32> to vector<16x1xi32>
        %gather3A_982 = vector.shape_cast %broadcast_in_dim3A_981 : vector<16x1xi32> to vector<16xi32>
        %gather3A_983 = tpu.dynamic_gather %add3A_969[%gather3A_982] in [0] : vector<16xf32>, vector<16xi32> -> vector<16xf32>
        %add3A_984 = arith.addf %add3A_969, %gather3A_983 : vector<16xf32>
        %xor3A_985 = arith.constant 4 : i32
        %xor3A_986 = vector.broadcast %xor3A_985 : i32 to vector<16xi32>
        %xor3A_987 = arith.xori %iota3A_970, %xor3A_986 : vector<16xi32>
        %lt3A_988 = arith.constant 0 : i32
        %lt3A_989 = vector.broadcast %lt3A_988 : i32 to vector<16xi32>
        %lt3A_990 = arith.cmpi slt, %xor3A_987, %lt3A_989 : vector<16xi32>
        %add3A_991 = arith.constant 16 : i32
        %add3A_992 = vector.broadcast %add3A_991 : i32 to vector<16xi32>
        %add3A_993 = arith.addi %xor3A_987, %add3A_992 : vector<16xi32>
        %select_n3A_994 = arith.select %lt3A_990, %add3A_993, %xor3A_987 : vector<16xi1>, vector<16xi32>
        %broadcast_in_dim3A_995 = vector.shape_cast %select_n3A_994 : vector<16xi32> to vector<16x1xi32>
        %gather3A_996 = vector.shape_cast %broadcast_in_dim3A_995 : vector<16x1xi32> to vector<16xi32>
        %gather3A_997 = tpu.dynamic_gather %add3A_984[%gather3A_996] in [0] : vector<16xf32>, vector<16xi32> -> vector<16xf32>
        %add3A_998 = arith.addf %add3A_984, %gather3A_997 : vector<16xf32>
        %xor3A_999 = arith.constant 2 : i32
        %xor3A_1000 = vector.broadcast %xor3A_999 : i32 to vector<16xi32>
        %xor3A_1001 = arith.xori %iota3A_970, %xor3A_1000 : vector<16xi32>
        %lt3A_1002 = arith.constant 0 : i32
        %lt3A_1003 = vector.broadcast %lt3A_1002 : i32 to vector<16xi32>
        %lt3A_1004 = arith.cmpi slt, %xor3A_1001, %lt3A_1003 : vector<16xi32>
        %add3A_1005 = arith.constant 16 : i32
        %add3A_1006 = vector.broadcast %add3A_1005 : i32 to vector<16xi32>
        %add3A_1007 = arith.addi %xor3A_1001, %add3A_1006 : vector<16xi32>
        %select_n3A_1008 = arith.select %lt3A_1004, %add3A_1007, %xor3A_1001 : vector<16xi1>, vector<16xi32>
        %broadcast_in_dim3A_1009 = vector.shape_cast %select_n3A_1008 : vector<16xi32> to vector<16x1xi32>
        %gather3A_1010 = vector.shape_cast %broadcast_in_dim3A_1009 : vector<16x1xi32> to vector<16xi32>
        %gather3A_1011 = tpu.dynamic_gather %add3A_998[%gather3A_1010] in [0] : vector<16xf32>, vector<16xi32> -> vector<16xf32>
        %add3A_1012 = arith.addf %add3A_998, %gather3A_1011 : vector<16xf32>
        %xor3A_1013 = arith.constant 1 : i32
        %xor3A_1014 = vector.broadcast %xor3A_1013 : i32 to vector<16xi32>
        %xor3A_1015 = arith.xori %iota3A_970, %xor3A_1014 : vector<16xi32>
        %lt3A_1016 = arith.constant 0 : i32
        %lt3A_1017 = vector.broadcast %lt3A_1016 : i32 to vector<16xi32>
        %lt3A_1018 = arith.cmpi slt, %xor3A_1015, %lt3A_1017 : vector<16xi32>
        %add3A_1019 = arith.constant 16 : i32
        %add3A_1020 = vector.broadcast %add3A_1019 : i32 to vector<16xi32>
        %add3A_1021 = arith.addi %xor3A_1015, %add3A_1020 : vector<16xi32>
        %select_n3A_1022 = arith.select %lt3A_1018, %add3A_1021, %xor3A_1015 : vector<16xi1>, vector<16xi32>
        %broadcast_in_dim3A_1023 = vector.shape_cast %select_n3A_1022 : vector<16xi32> to vector<16x1xi32>
        %gather3A_1024 = vector.shape_cast %broadcast_in_dim3A_1023 : vector<16x1xi32> to vector<16xi32>
        %gather3A_1025 = tpu.dynamic_gather %add3A_1012[%gather3A_1024] in [0] : vector<16xf32>, vector<16xi32> -> vector<16xf32>
        %add3A_1026 = arith.addf %add3A_1012, %gather3A_1025 : vector<16xf32>
        %mul3A_1027 = arith.constant 7.812500e-03 : f32
        %mul3A_1028 = vector.broadcast %mul3A_1027 : f32 to vector<16xf32>
        %mul3A_1029 = arith.mulf %add3A_1026, %mul3A_1028 : vector<16xf32>
        %add3A_1030 = arith.addf %add3A_961, %add3A_968 : vector<16xf32>
        %iota3A_1031 = tpu.iota {dimensions = array<i32: 0>} : vector<16xi32>
        %xor3A_1032 = arith.constant 8 : i32
        %xor3A_1033 = vector.broadcast %xor3A_1032 : i32 to vector<16xi32>
        %xor3A_1034 = arith.xori %iota3A_1031, %xor3A_1033 : vector<16xi32>
        %lt3A_1035 = arith.constant 0 : i32
        %lt3A_1036 = vector.broadcast %lt3A_1035 : i32 to vector<16xi32>
        %lt3A_1037 = arith.cmpi slt, %xor3A_1034, %lt3A_1036 : vector<16xi32>
        %add3A_1038 = arith.constant 16 : i32
        %add3A_1039 = vector.broadcast %add3A_1038 : i32 to vector<16xi32>
        %add3A_1040 = arith.addi %xor3A_1034, %add3A_1039 : vector<16xi32>
        %select_n3A_1041 = arith.select %lt3A_1037, %add3A_1040, %xor3A_1034 : vector<16xi1>, vector<16xi32>
        %broadcast_in_dim3A_1042 = vector.shape_cast %select_n3A_1041 : vector<16xi32> to vector<16x1xi32>
        %gather3A_1043 = vector.shape_cast %broadcast_in_dim3A_1042 : vector<16x1xi32> to vector<16xi32>
        %gather3A_1044 = tpu.dynamic_gather %add3A_1030[%gather3A_1043] in [0] : vector<16xf32>, vector<16xi32> -> vector<16xf32>
        %add3A_1045 = arith.addf %add3A_1030, %gather3A_1044 : vector<16xf32>
        %xor3A_1046 = arith.constant 4 : i32
        %xor3A_1047 = vector.broadcast %xor3A_1046 : i32 to vector<16xi32>
        %xor3A_1048 = arith.xori %iota3A_1031, %xor3A_1047 : vector<16xi32>
        %lt3A_1049 = arith.constant 0 : i32
        %lt3A_1050 = vector.broadcast %lt3A_1049 : i32 to vector<16xi32>
        %lt3A_1051 = arith.cmpi slt, %xor3A_1048, %lt3A_1050 : vector<16xi32>
        %add3A_1052 = arith.constant 16 : i32
        %add3A_1053 = vector.broadcast %add3A_1052 : i32 to vector<16xi32>
        %add3A_1054 = arith.addi %xor3A_1048, %add3A_1053 : vector<16xi32>
        %select_n3A_1055 = arith.select %lt3A_1051, %add3A_1054, %xor3A_1048 : vector<16xi1>, vector<16xi32>
        %broadcast_in_dim3A_1056 = vector.shape_cast %select_n3A_1055 : vector<16xi32> to vector<16x1xi32>
        %gather3A_1057 = vector.shape_cast %broadcast_in_dim3A_1056 : vector<16x1xi32> to vector<16xi32>
        %gather3A_1058 = tpu.dynamic_gather %add3A_1045[%gather3A_1057] in [0] : vector<16xf32>, vector<16xi32> -> vector<16xf32>
        %add3A_1059 = arith.addf %add3A_1045, %gather3A_1058 : vector<16xf32>
        %xor3A_1060 = arith.constant 2 : i32
        %xor3A_1061 = vector.broadcast %xor3A_1060 : i32 to vector<16xi32>
        %xor3A_1062 = arith.xori %iota3A_1031, %xor3A_1061 : vector<16xi32>
        %lt3A_1063 = arith.constant 0 : i32
        %lt3A_1064 = vector.broadcast %lt3A_1063 : i32 to vector<16xi32>
        %lt3A_1065 = arith.cmpi slt, %xor3A_1062, %lt3A_1064 : vector<16xi32>
        %add3A_1066 = arith.constant 16 : i32
        %add3A_1067 = vector.broadcast %add3A_1066 : i32 to vector<16xi32>
        %add3A_1068 = arith.addi %xor3A_1062, %add3A_1067 : vector<16xi32>
        %select_n3A_1069 = arith.select %lt3A_1065, %add3A_1068, %xor3A_1062 : vector<16xi1>, vector<16xi32>
        %broadcast_in_dim3A_1070 = vector.shape_cast %select_n3A_1069 : vector<16xi32> to vector<16x1xi32>
        %gather3A_1071 = vector.shape_cast %broadcast_in_dim3A_1070 : vector<16x1xi32> to vector<16xi32>
        %gather3A_1072 = tpu.dynamic_gather %add3A_1059[%gather3A_1071] in [0] : vector<16xf32>, vector<16xi32> -> vector<16xf32>
        %add3A_1073 = arith.addf %add3A_1059, %gather3A_1072 : vector<16xf32>
        %xor3A_1074 = arith.constant 1 : i32
        %xor3A_1075 = vector.broadcast %xor3A_1074 : i32 to vector<16xi32>
        %xor3A_1076 = arith.xori %iota3A_1031, %xor3A_1075 : vector<16xi32>
        %lt3A_1077 = arith.constant 0 : i32
        %lt3A_1078 = vector.broadcast %lt3A_1077 : i32 to vector<16xi32>
        %lt3A_1079 = arith.cmpi slt, %xor3A_1076, %lt3A_1078 : vector<16xi32>
        %add3A_1080 = arith.constant 16 : i32
        %add3A_1081 = vector.broadcast %add3A_1080 : i32 to vector<16xi32>
        %add3A_1082 = arith.addi %xor3A_1076, %add3A_1081 : vector<16xi32>
        %select_n3A_1083 = arith.select %lt3A_1079, %add3A_1082, %xor3A_1076 : vector<16xi1>, vector<16xi32>
        %broadcast_in_dim3A_1084 = vector.shape_cast %select_n3A_1083 : vector<16xi32> to vector<16x1xi32>
        %gather3A_1085 = vector.shape_cast %broadcast_in_dim3A_1084 : vector<16x1xi32> to vector<16xi32>
        %gather3A_1086 = tpu.dynamic_gather %add3A_1073[%gather3A_1085] in [0] : vector<16xf32>, vector<16xi32> -> vector<16xf32>
        %add3A_1087 = arith.addf %add3A_1073, %gather3A_1086 : vector<16xf32>
        %mul3A_1088 = arith.constant 7.812500e-03 : f32
        %mul3A_1089 = vector.broadcast %mul3A_1088 : f32 to vector<16xf32>
        %mul3A_1090 = arith.mulf %add3A_1087, %mul3A_1089 : vector<16xf32>
        %mul3A_1091 = arith.mulf %mul3A_1029, %mul3A_1029 : vector<16xf32>
        %sub3A_1092 = arith.subf %mul3A_1090, %mul3A_1091 : vector<16xf32>
        %add3A_1093 = arith.constant 9.99999996E-13 : f32
        %add3A_1094 = vector.broadcast %add3A_1093 : f32 to vector<16xf32>
        %add3A_1095 = arith.addf %sub3A_1092, %add3A_1094 : vector<16xf32>
        %bitcast_convert_type3A_1096 = tpu.bitcast %add3A_1095 : vector<16xf32> -> vector<16xi32>
        %shift_right_logical3A_1097 = arith.constant 1 : i32
        %shift_right_logical3A_1098 = vector.broadcast %shift_right_logical3A_1097 : i32 to vector<16xi32>
        %shift_right_logical3A_1099 = arith.shrui %bitcast_convert_type3A_1096, %shift_right_logical3A_1098 : vector<16xi32>
        %sub3A_1100 = arith.constant 1597463007 : i32
        %sub3A_1101 = vector.broadcast %sub3A_1100 : i32 to vector<16xi32>
        %sub3A_1102 = arith.subi %sub3A_1101, %shift_right_logical3A_1099 : vector<16xi32>
        %bitcast_convert_type3A_1103 = tpu.bitcast %sub3A_1102 : vector<16xi32> -> vector<16xf32>
        %mul3A_1104 = arith.constant 5.000000e-01 : f32
        %mul3A_1105 = vector.broadcast %mul3A_1104 : f32 to vector<16xf32>
        %mul3A_1106 = arith.mulf %add3A_1095, %mul3A_1105 : vector<16xf32>
        %mul3A_1107 = arith.mulf %mul3A_1106, %bitcast_convert_type3A_1103 : vector<16xf32>
        %mul3A_1108 = arith.mulf %mul3A_1107, %bitcast_convert_type3A_1103 : vector<16xf32>
        %sub3A_1109 = arith.constant 1.500000e+00 : f32
        %sub3A_1110 = vector.broadcast %sub3A_1109 : f32 to vector<16xf32>
        %sub3A_1111 = arith.subf %sub3A_1110, %mul3A_1108 : vector<16xf32>
        %mul3A_1112 = arith.mulf %bitcast_convert_type3A_1103, %sub3A_1111 : vector<16xf32>
        %mul3A_1113 = arith.mulf %mul3A_1106, %mul3A_1112 : vector<16xf32>
        %mul3A_1114 = arith.mulf %mul3A_1113, %mul3A_1112 : vector<16xf32>
        %sub3A_1115 = arith.constant 1.500000e+00 : f32
        %sub3A_1116 = vector.broadcast %sub3A_1115 : f32 to vector<16xf32>
        %sub3A_1117 = arith.subf %sub3A_1116, %mul3A_1114 : vector<16xf32>
        %mul3A_1118 = arith.mulf %mul3A_1112, %sub3A_1117 : vector<16xf32>
        %mul3A_1119 = arith.mulf %mul3A_1106, %mul3A_1118 : vector<16xf32>
        %mul3A_1120 = arith.mulf %mul3A_1119, %mul3A_1118 : vector<16xf32>
        %sub3A_1121 = arith.constant 1.500000e+00 : f32
        %sub3A_1122 = vector.broadcast %sub3A_1121 : f32 to vector<16xf32>
        %sub3A_1123 = arith.subf %sub3A_1122, %mul3A_1120 : vector<16xf32>
        %mul3A_1124 = arith.mulf %mul3A_1118, %sub3A_1123 : vector<16xf32>
        %neg3A_1125 = arith.constant 0.000000e+00 : f32
        %neg3A_1126 = vector.broadcast %neg3A_1125 : f32 to vector<16xf32>
        %neg3A_1127 = arith.subf %neg3A_1126, %mul3A_1029 : vector<16xf32>
        %mul3A_1128 = arith.mulf %neg3A_1127, %mul3A_1124 : vector<16xf32>
        %mul3A_1129 = arith.mulf %get3A_920, %mul3A_1124 : vector<16xf32>
        %add3A_1130 = arith.addf %mul3A_1129, %mul3A_1128 : vector<16xf32>
        %mul3A_1131 = arith.mulf %add3A_1130, %get3A_4 : vector<16xf32>
        %add3A_1132 = arith.addf %mul3A_1131, %get3A_28 : vector<16xf32>
        %swap3A_1133 = arith.index_cast %scan3A_916 : i32 to index
        %swap3A_1134 = arith.constant 0 : index
        %swap3A_1135 = tpu.vector_load %arg8[%swap3A_1133, %swap3A_1134] {strides = array<i32>} : memref<128x128xf32, #tpu.memory_space<vmem>>, vector<1x16xf32>,
        %swap3A_1136 = vector.shape_cast %swap3A_1135 : vector<1x16xf32> to vector<16xf32>
        %swap3A_1137 = vector.shape_cast %add3A_1132 : vector<16xf32> to vector<1x16xf32>
        tpu.vector_store %arg8[%swap3A_1133, %swap3A_1134], %swap3A_1137 {strides = array<i32>} : memref<128x128xf32, #tpu.memory_space<vmem>>, vector<1x16xf32>,
        %mul3A_1138 = arith.mulf %get3A_924, %mul3A_1124 : vector<16xf32>
        %add3A_1139 = arith.addf %mul3A_1138, %mul3A_1128 : vector<16xf32>
        %mul3A_1140 = arith.mulf %add3A_1139, %get3A_7 : vector<16xf32>
        %add3A_1141 = arith.addf %mul3A_1140, %get3A_31 : vector<16xf32>
        %swap3A_1142 = arith.index_cast %scan3A_916 : i32 to index
        %swap3A_1143 = arith.constant 16 : index
        %swap3A_1144 = tpu.vector_load %arg8[%swap3A_1142, %swap3A_1143] {strides = array<i32>} : memref<128x128xf32, #tpu.memory_space<vmem>>, vector<1x16xf32>,
        %swap3A_1145 = vector.shape_cast %swap3A_1144 : vector<1x16xf32> to vector<16xf32>
        %swap3A_1146 = vector.shape_cast %add3A_1141 : vector<16xf32> to vector<1x16xf32>
        tpu.vector_store %arg8[%swap3A_1142, %swap3A_1143], %swap3A_1146 {strides = array<i32>} : memref<128x128xf32, #tpu.memory_space<vmem>>, vector<1x16xf32>,
        %mul3A_1147 = arith.mulf %get3A_928, %mul3A_1124 : vector<16xf32>
        %add3A_1148 = arith.addf %mul3A_1147, %mul3A_1128 : vector<16xf32>
        %mul3A_1149 = arith.mulf %add3A_1148, %get3A_10 : vector<16xf32>
        %add3A_1150 = arith.addf %mul3A_1149, %get3A_34 : vector<16xf32>
        %swap3A_1151 = arith.index_cast %scan3A_916 : i32 to index
        %swap3A_1152 = arith.constant 32 : index
        %swap3A_1153 = tpu.vector_load %arg8[%swap3A_1151, %swap3A_1152] {strides = array<i32>} : memref<128x128xf32, #tpu.memory_space<vmem>>, vector<1x16xf32>,
        %swap3A_1154 = vector.shape_cast %swap3A_1153 : vector<1x16xf32> to vector<16xf32>
        %swap3A_1155 = vector.shape_cast %add3A_1150 : vector<16xf32> to vector<1x16xf32>
        tpu.vector_store %arg8[%swap3A_1151, %swap3A_1152], %swap3A_1155 {strides = array<i32>} : memref<128x128xf32, #tpu.memory_space<vmem>>, vector<1x16xf32>,
        %mul3A_1156 = arith.mulf %get3A_932, %mul3A_1124 : vector<16xf32>
        %add3A_1157 = arith.addf %mul3A_1156, %mul3A_1128 : vector<16xf32>
        %mul3A_1158 = arith.mulf %add3A_1157, %get3A_13 : vector<16xf32>
        %add3A_1159 = arith.addf %mul3A_1158, %get3A_37 : vector<16xf32>
        %swap3A_1160 = arith.index_cast %scan3A_916 : i32 to index
        %swap3A_1161 = arith.constant 48 : index
        %swap3A_1162 = tpu.vector_load %arg8[%swap3A_1160, %swap3A_1161] {strides = array<i32>} : memref<128x128xf32, #tpu.memory_space<vmem>>, vector<1x16xf32>,
        %swap3A_1163 = vector.shape_cast %swap3A_1162 : vector<1x16xf32> to vector<16xf32>
        %swap3A_1164 = vector.shape_cast %add3A_1159 : vector<16xf32> to vector<1x16xf32>
        tpu.vector_store %arg8[%swap3A_1160, %swap3A_1161], %swap3A_1164 {strides = array<i32>} : memref<128x128xf32, #tpu.memory_space<vmem>>, vector<1x16xf32>,
        %mul3A_1165 = arith.mulf %get3A_936, %mul3A_1124 : vector<16xf32>
        %add3A_1166 = arith.addf %mul3A_1165, %mul3A_1128 : vector<16xf32>
        %mul3A_1167 = arith.mulf %add3A_1166, %get3A_16 : vector<16xf32>
        %add3A_1168 = arith.addf %mul3A_1167, %get3A_40 : vector<16xf32>
        %swap3A_1169 = arith.index_cast %scan3A_916 : i32 to index
        %swap3A_1170 = arith.constant 64 : index
        %swap3A_1171 = tpu.vector_load %arg8[%swap3A_1169, %swap3A_1170] {strides = array<i32>} : memref<128x128xf32, #tpu.memory_space<vmem>>, vector<1x16xf32>,
        %swap3A_1172 = vector.shape_cast %swap3A_1171 : vector<1x16xf32> to vector<16xf32>
        %swap3A_1173 = vector.shape_cast %add3A_1168 : vector<16xf32> to vector<1x16xf32>
        tpu.vector_store %arg8[%swap3A_1169, %swap3A_1170], %swap3A_1173 {strides = array<i32>} : memref<128x128xf32, #tpu.memory_space<vmem>>, vector<1x16xf32>,
        %mul3A_1174 = arith.mulf %get3A_940, %mul3A_1124 : vector<16xf32>
        %add3A_1175 = arith.addf %mul3A_1174, %mul3A_1128 : vector<16xf32>
        %mul3A_1176 = arith.mulf %add3A_1175, %get3A_19 : vector<16xf32>
        %add3A_1177 = arith.addf %mul3A_1176, %get3A_43 : vector<16xf32>
        %swap3A_1178 = arith.index_cast %scan3A_916 : i32 to index
        %swap3A_1179 = arith.constant 80 : index
        %swap3A_1180 = tpu.vector_load %arg8[%swap3A_1178, %swap3A_1179] {strides = array<i32>} : memref<128x128xf32, #tpu.memory_space<vmem>>, vector<1x16xf32>,
        %swap3A_1181 = vector.shape_cast %swap3A_1180 : vector<1x16xf32> to vector<16xf32>
        %swap3A_1182 = vector.shape_cast %add3A_1177 : vector<16xf32> to vector<1x16xf32>
        tpu.vector_store %arg8[%swap3A_1178, %swap3A_1179], %swap3A_1182 {strides = array<i32>} : memref<128x128xf32, #tpu.memory_space<vmem>>, vector<1x16xf32>,
        %mul3A_1183 = arith.mulf %get3A_944, %mul3A_1124 : vector<16xf32>
        %add3A_1184 = arith.addf %mul3A_1183, %mul3A_1128 : vector<16xf32>
        %mul3A_1185 = arith.mulf %add3A_1184, %get3A_22 : vector<16xf32>
        %add3A_1186 = arith.addf %mul3A_1185, %get3A_46 : vector<16xf32>
        %swap3A_1187 = arith.index_cast %scan3A_916 : i32 to index
        %swap3A_1188 = arith.constant 96 : index
        %swap3A_1189 = tpu.vector_load %arg8[%swap3A_1187, %swap3A_1188] {strides = array<i32>} : memref<128x128xf32, #tpu.memory_space<vmem>>, vector<1x16xf32>,
        %swap3A_1190 = vector.shape_cast %swap3A_1189 : vector<1x16xf32> to vector<16xf32>
        %swap3A_1191 = vector.shape_cast %add3A_1186 : vector<16xf32> to vector<1x16xf32>
        tpu.vector_store %arg8[%swap3A_1187, %swap3A_1188], %swap3A_1191 {strides = array<i32>} : memref<128x128xf32, #tpu.memory_space<vmem>>, vector<1x16xf32>,
        %mul3A_1192 = arith.mulf %get3A_948, %mul3A_1124 : vector<16xf32>
        %add3A_1193 = arith.addf %mul3A_1192, %mul3A_1128 : vector<16xf32>
        %mul3A_1194 = arith.mulf %add3A_1193, %get3A_25 : vector<16xf32>
        %add3A_1195 = arith.addf %mul3A_1194, %get3A_49 : vector<16xf32>
        %swap3A_1196 = arith.index_cast %scan3A_916 : i32 to index
        %swap3A_1197 = arith.constant 112 : index
        %swap3A_1198 = tpu.vector_load %arg8[%swap3A_1196, %swap3A_1197] {strides = array<i32>} : memref<128x128xf32, #tpu.memory_space<vmem>>, vector<1x16xf32>,
        %swap3A_1199 = vector.shape_cast %swap3A_1198 : vector<1x16xf32> to vector<16xf32>
        %swap3A_1200 = vector.shape_cast %add3A_1195 : vector<16xf32> to vector<1x16xf32>
        tpu.vector_store %arg8[%swap3A_1196, %swap3A_1197], %swap3A_1200 {strides = array<i32>} : memref<128x128xf32, #tpu.memory_space<vmem>>, vector<1x16xf32>,
      }
      %scan3A_68 = arith.constant 128 : i32
      "tpu.region"() ({
        %run_scoped3A = tpu.sem_alloc : memref<!tpu.dma_semaphore, #tpu.memory_space<semaphore_mem>>
        %dma_start3A_69 = arith.constant 0 : i32
        %dma_start3A_70 = tpu.memref_slice %arg6[%add3A_58, %dma_start3A_69] : memref<204800x128xf32, #tpu.memory_space<hbm>> -> memref<128x128xf32, #tpu.memory_space<hbm>>
        %dma_start3A_71 = arith.constant 0 : i32
        %dma_start3A_72 = tpu.memref_slice %arg6[%add3A_58, %dma_start3A_71] : memref<204800x128xf32, #tpu.memory_space<hbm>> -> memref<128x128xf32, #tpu.memory_space<hbm>>
        tpu.enqueue_dma source(%arg8 : memref<128x128xf32, #tpu.memory_space<vmem>>) target(%dma_start3A_72 : memref<128x128xf32, #tpu.memory_space<hbm>>) target_semaphore(%run_scoped3A : memref<!tpu.dma_semaphore, #tpu.memory_space<semaphore_mem>>)
        %dma_wait3A_73 = arith.constant 0 : i32
        %dma_wait3A_74 = tpu.memref_slice %arg6[%add3A_58, %dma_wait3A_73] : memref<204800x128xf32, #tpu.memory_space<hbm>> -> memref<128x128xf32, #tpu.memory_space<hbm>>
        %dma_wait3A_75 = arith.constant 0 : i32
        %dma_wait3A_76 = tpu.memref_slice %arg6[%add3A_58, %dma_wait3A_75] : memref<204800x128xf32, #tpu.memory_space<hbm>> -> memref<128x128xf32, #tpu.memory_space<hbm>>
        tpu.wait_dma2 semaphore(%run_scoped3A : memref<!tpu.dma_semaphore, #tpu.memory_space<semaphore_mem>>) src(%arg8 : memref<128x128xf32, #tpu.memory_space<vmem>>) dst(%dma_wait3A_76 : memref<128x128xf32, #tpu.memory_space<hbm>>)
        tpu.yield
      }) : () -> ()
    }
    %scan3A_54 = arith.constant 50 : i32
    return
  }
}

</mosaic_0001>

<sc_bundles>
// kernel: kernel.3.cloned.1.call-start
scs
__scs_entry_jumppad:
0x0: {  	(pc) =	sbr.rel $0x88, $3  }
0x1: {  	(tag) =	ssettag $0x0;
	lr =	simm.s32 $0x1  }
0x2: {  	[smem:$0x3F9D] =	sst lr;
	_ =	strace $0xD0000000  }
0x3: {  	_ = 	snop  }
0x4: {  	_ = 	snop  }
0x5: {  	_ = 	snop  }
0x6: {  	_ = 	snop  }
0x7: {  	_ = 	snop  }
__scs_overlays_trampoline_lowered:
0x8: {  	[smem:$0x3FAC] =	sst s0  }
0x9: {  	[smem:$0x3FAD] =	sst s1  }
0xa: {  	[smem:$0x3FAE] =	sst s2  }
0xb: {  	[smem:$0x3FAF] =	sst s3  }
0xc: {  	[smem:$0x3FB0] =	sst s4  }
0xd: {  	[smem:$0x3FB1] =	sst s5  }
0xe: {  	[smem:$0x3FB2] =	sst s6  }
0xf: {  	[smem:$0x3FB3] =	sst s7  }
0x10: {  	[smem:$0x3FB4] =	sst s8  }
0x11: {  	[smem:$0x3FB5] =	sst s9;
	s0 =	simm.s32 @!p0 $0x0  }
0x12: {  	s1 =	sld [smem:$0x3F9B];
	s0 =	simm.s32 @p0 $0x1  }
0x13: {  	[smem:$0x3FB6] =	sst s0;
	s0 =	simm.s32 @!p1 $0x0  }
0x14: {  	s2 =	sld [smem:$0x3F9A];
	s0 =	simm.s32 @p1 $0x1  }
0x15: {  	[smem:$0x3FB7] =	sst s0;
	s0 =	simm.s32 @!p2 $0x0  }
0x16: {  	s3 =	sld [smem:$0x3FDB];
	s0 =	simm.s32 @p2 $0x1  }
0x17: {  	s4 =	simm.s32 $0x1BF5;
	[smem:$0x3FB9] =	sst s0  }
0x18: {  	s0 =	sld [smem:$0x3F9C];
	_ =	swait.ge [sflag:s4], $0x0  }
0x19: {  	s7 =	sld [smem:$0x3F9D]  }
0x1a: {  	s8 =	sadd.s32 $0xFFFFE003, lr  }
0x1b: {  	s9 =	sadd.s32 $0xFFFFFEF7, lr;
	s5 =	simm.s32 $0xFFFFFFFF;
	p2 =	slt.u32 s8, $0xFFFFF086  }
0x1c: {  	p1 =	slt.u32 s9, $0xF7A;
	s5 =	simm.s32 @!p2 $0x0  }
0x1d: {  	s5 =	simm.s32 @p1 $0x1;
	p0 =	seq.s32 s7, s2  }
0x1e: {  	s7 =	smul.u32 @!p0 $0xF7A, s2;
	p2 =	seq.s32 @!p0 s5, $0x0  }
0x1f: {  	s9 =	smul.u32 $0xF7A, s1;
	s8 =	simm.s32 @!p0 $0x1BF5;
	p2 =	por !p2, p0  }
0x20: {  	[sflag:s8] =	ssyncset.s32 @!p0 $0xFFFFF086;
	s6 =	sadd.s32 @!p0 s3, s7;
	s7 =	simm.s32 @!p0 $0x108  }
0x21: {  	s3 =	sadd.s32 s3, s9;
	s6 =	sadd.s32 @!p0 $0x88, s6;
	s7 =	simm.s32 @p2 $0x1082  }
0x22: {  	[simem:s7], [sflag:s8] =	dma.local @!p0 [hbm:s6], $0xF7A  }
0x23: {  	s9 =	sor.u32 $0xD0000000, s2;
	s6 =	simm.s32 $0x108;
	_ =	swait.ge @!p0 [sflag:s8], $0x0  }
0x24: {  	s3 =	sadd.s32 $0x88, s3;
	s6 =	simm.s32 @!p1 $0x1082;
	[sflag:s4] =	ssyncset.s32 $0xFFFFF086  }
0x25: {  	[simem:s6], [sflag:s4] =	dma.local [hbm:s3], $0xF7A  }
0x26: {  	[smem:$0x3F9D] =	sst s1;
	(tag) =	ssettag s2;
	_ =	strace s9  }
0x27: {  	s1 =	sld [smem:$0x3FAD]  }
0x28: {  	s2 =	sld [smem:$0x3FAE]  }
0x29: {  	s4 =	sld [smem:$0x3FB0]  }
0x2a: {  	p0 =	seq.s32 s5, $0x0;
	s5 =	sld [smem:$0x3FB1]  }
0x2b: {  	s6 =	sld [smem:$0x3FB2]  }
0x2c: {  	s7 =	sld [smem:$0x3FB3]  }
0x2d: {  	s3 =	simm.s32 $0x108;
	s8 =	sld [smem:$0x3FB4]  }
0x2e: {  	s3 =	simm.s32 @!p0 $0x1082;
	s9 =	sld [smem:$0x3FB5]  }
0x2f: {  	lr =	sadd.s32 s0, s3;
	s0 =	sld [smem:$0x3FAC]  }
0x30: {  	s3 =	sld [smem:$0x3FAF]  }
0x31: {  	[smem:$0x3FB8] =	sst s10  }
0x32: {  	s10 =	sld [smem:$0x3FB6];
	_ =	sdelay $0x3  }
0x33: {  	p0 =	seq.s32 s10, $0x1;
	s10 =	sld [smem:$0x3FB8];
	_ =	sdelay $0x3  }
0x34: {  	[smem:$0x3FB8] =	sst s10  }
0x35: {  	s10 =	sld [smem:$0x3FB7];
	_ =	sdelay $0x3  }
0x36: {  	p1 =	seq.s32 s10, $0x1;
	s10 =	sld [smem:$0x3FB8];
	_ =	sdelay $0x3  }
0x37: {  	[smem:$0x3FB8] =	sst s10  }
0x38: {  	s10 =	sld [smem:$0x3FB9]  }
0x39: {  	_ = 	snop;
	(pc) =	sbr.ind lr, $3  }
0x3a: {  	_ = 	snop  }
0x3b: {  	_ = 	snop  }
0x3c: {  	p2 =	seq.s32 s10, $0x1;
	s10 =	sld [smem:$0x3FB8]  }
0x3d: {  	_ =	shalt  }
0x3e: {  	_ =	shalt  }
0x3f: {  	_ =	shalt  }
0x40: {  	_ =	shalt  }
0x41: {  	_ =	shalt  }
0x42: {  	_ =	shalt  }
0x43: {  	_ =	shalt  }
0x44: {  	_ =	shalt  }
0x45: {  	_ =	shalt  }
0x46: {  	_ =	shalt  }
0x47: {  	_ =	shalt  }
0x48: {  	_ =	shalt  }
0x49: {  	_ =	shalt  }
0x4a: {  	_ =	shalt  }
0x4b: {  	_ =	shalt  }
0x4c: {  	_ =	shalt  }
0x4d: {  	_ =	shalt  }
0x4e: {  	_ =	shalt  }
0x4f: {  	_ =	shalt  }
0x50: {  	_ =	shalt  }
0x51: {  	_ =	shalt  }
0x52: {  	_ =	shalt  }
0x53: {  	_ =	shalt  }
0x54: {  	_ =	shalt  }
0x55: {  	_ =	shalt  }
0x56: {  	_ =	shalt  }
0x57: {  	_ =	shalt  }
0x58: {  	_ =	shalt  }
0x59: {  	_ =	shalt  }
0x5a: {  	_ =	shalt  }
0x5b: {  	_ =	shalt  }
0x5c: {  	_ =	shalt  }
0x5d: {  	_ =	shalt  }
0x5e: {  	_ =	shalt  }
0x5f: {  	_ =	shalt  }
0x60: {  	_ =	shalt  }
0x61: {  	_ =	shalt  }
0x62: {  	_ =	shalt  }
0x63: {  	_ =	shalt  }
0x64: {  	_ =	shalt  }
0x65: {  	_ =	shalt  }
0x66: {  	_ =	shalt  }
0x67: {  	_ =	shalt  }
0x68: {  	_ =	shalt  }
0x69: {  	_ =	shalt  }
0x6a: {  	_ =	shalt  }
0x6b: {  	_ =	shalt  }
0x6c: {  	_ =	shalt  }
0x6d: {  	_ =	shalt  }
0x6e: {  	_ =	shalt  }
0x6f: {  	_ =	shalt  }
0x70: {  	_ =	shalt  }
0x71: {  	_ =	shalt  }
0x72: {  	_ =	shalt  }
0x73: {  	_ =	shalt  }
0x74: {  	_ =	shalt  }
0x75: {  	_ =	shalt  }
0x76: {  	_ =	shalt  }
0x77: {  	_ =	shalt  }
0x78: {  	_ =	shalt  }
0x79: {  	_ =	shalt  }
0x7a: {  	_ =	shalt  }
0x7b: {  	_ =	shalt  }
0x7c: {  	_ =	shalt  }
0x7d: {  	_ =	shalt  }
0x7e: {  	_ =	shalt  }
0x7f: {  	_ =	shalt  }
0x80: {  	_ =	shalt  }
0x81: {  	_ =	shalt  }
0x82: {  	_ =	shalt  }
0x83: {  	_ =	shalt  }
0x84: {  	_ =	shalt  }
0x85: {  	_ =	shalt  }
0x86: {  	_ =	shalt  }
0x87: {  	_ =	shalt  }
.Lfunc_end0:
.L_simem_size_0:
called_computation_lowered:
.L_overlay_start_0:
0x88: {  	s2 =	sld [smem:$0x3FD9]  }
0x89: {  	s3 =	sld [smem:$0x3FFE];
	_ =	sdelay $0x1  }
0x8a: {  	s1 =	srdreg.scid  }
0x8b: {  	s0 =	sand.u32 $0x1, s1  }
0x8c: {  	s17 =	sshll.u32 s0, $0xA;
	s2 =	sadd.s32 s3, s2  }
0x8d: {  	s2 =	sadd.s32 s2, s17  }
0x8e: {  	[smem:$0x3FC4] =	sst s2  }
0x8f: {  	_ = 	snop  }
0x90: {  	s2 =	sld [smem:$0x3FC8]  }
0x91: {  	s18 =	sld [smem:$0x3FC7]  }
0x92: {  	s4 =	sld [smem:$0x3FC6]  }
0x93: {  	s5 =	sld [smem:$0x3FD0];
	(tm) =	ssettm $0x1  }
0x94: {  	s6 =	sld [smem:$0x3FFB];
	_ =	sdelay $0x3  }
0x95: {  	_ =	strace s6  }
0x96: {  	s6 =	sld [smem:$0x3FFC];
	_ =	sdelay $0x3  }
0x97: {  	_ =	strace s6  }
0x98: {  	s6 =	sld [smem:$0x3FFD];
	_ =	sdelay $0x3  }
0x99: {  	_ =	strace s6  }
0x9a: {  	_ =	strace $0x8FFFFFFF  }
0x9b: {  	s19 =	sld [smem:$0x3FDB];
	_ =	sdelay $0x1  }
0x9c: {  	s7 =	simm.s32 $_scs_section_size  }
0x9d: {  	s8 =	simm.s32 $_size__tile_overlayer_lowered;
	s9 =	simm.s32 $_tile_overlayer_lowered  }
0x9e: {  	s22 =	simm.s32 $0x1BFF;
	s21 =	sshll.u32 s9, $0x1;
	s6 =	sadd.s32 s7, s19  }
0x9f: {  	s10 =	simm.s32 $0x0;
	s20 =	sshll.u32 s8, $0x1;
	s8 =	sadd.s32 s21, s6  }
0xa0: {  	[timem:s10], [sflag:s22] =	dma.local [hbm:s8], s20  }
0xa1: {  	_ =	swait.ge [sflag:s22], s20  }
0xa2: {  	s7 =	ssub.s32 $0x0, s20;
	[sflag:s22] =	ssyncset.done $0x0  }
0xa3: {  	[sflag:s22] =	ssyncadd.s32 s7;
	_ =	sdelay $0x1  }
0xa4: {  	s23 =	simm.s32 $0x1B8B  }
0xa5: {  	_ =	swait.ge [sflag:s23], $0x1  }
0xa6: {  	[sflag:s23] =	ssyncset.done $0x0  }
0xa7: {  	s25 =	simm.s32 $0x1B8E;
	s24 =	sld [smem:$0x3FFE];
	[sflag:s23] =	ssyncadd.s32 $0xFFFFFFFF  }
0xa8: {  	s26 =	simm.s32 $execute0_lowered;
	[smem:$0x3FD2] =	sst s25  }
0xa9: {  	s8 =	sshll.u32 s26, $0x1;
	_ =	strace $0x80000046;
	[dreg:$0x1] =	wrdreg $0xFFFFFFFF  }
0xaa: {  	s28 =	simm.s32 $_size_execute0_lowered;
	s6 =	sadd.s32 s6, s8;
	[dreg:$0x0] =	wrdreg $0x0  }
0xab: {  	s8 =	sshll.u32 s28, $0x1;
	[dreg:$0x2] =	wrdreg s6  }
0xac: {  	[dreg:$0x3] =	wrdreg s8  }
0xad: {  	[dreg:$0x4] =	wrdreg $0xC0  }
0xae: {  	_ =	task [dreg:s10], $0x5FFFF  }
0xaf: {  	[dreg:$0x1] =	wrdreg $0xFFFFFFFF  }
0xb0: {  	[dreg:$0x0] =	wrdreg $0x60  }
0xb1: {  	[dreg:$0x2] =	wrdreg s24  }
0xb2: {  	[dreg:$0x3] =	wrdreg s2  }
0xb3: {  	[dreg:$0x4] =	wrdreg s18  }
0xb4: {  	[dreg:$0x5] =	wrdreg s4  }
0xb5: {  	[dreg:$0x6] =	wrdreg s5  }
0xb6: {  	[dreg:$0x7] =	wrdreg $0x9  }
0xb7: {  	_ =	task.clear_ibuf [dreg:s10], $0x8FFFF;
	_ =	strace $0x90000046  }
0xb8: {  	s29 =	simm.s32 $0x9;
	_ =	strace $0x80000048  }
0xb9: {  	_ =	swait.ge [sflag:s29], $0x1  }
0xba: {  	[sflag:s29] =	ssyncadd.s32 $0xFFFFFFFF  }
0xbb: {  	_ =	strace $0x90000048  }
0xbc: {  	_ =	sfence  }
0xbd: {  	s30 =	sld [smem:$0x0];
	_ =	sdelay $0x2  }
0xbe: {  	s31 =	sshll.u32 s1, $0xD;
	s1 =	sshrl.u32 s1, $0x2  }
0xbf: {  	s3 =	sand.u32 $0x4000, s31;
	s1 =	sadd.s32 s1, s30  }
0xc0: {  	s0 =	sor.u32 s3, s0;
	s1 =	sshll.u32 s1, $0x11  }
0xc1: {  	s0 =	sor.u32 s1, s0  }
0xc2: {  	s0 =	sadd.s32 $0x8F2B, s0  }
0xc3: {  	[sflag:s0] =	ssyncadd.remote.s32 $0x1  }
0xc4: {  	_ =	sfence.sel $0xFFFF  }
0xc5: {  	[dreg:$0x0] =	wrdreg $0xFFFFFFFF;
	(pc) =	sbr.abs _section_cstart, $3  }
0xc6: {  	[dreg:$0x1] =	wrdreg $0xFFFFFFFF  }
0xc7: {  	_ =	task.clear_ibuf [dreg:s10], $0x2FFFF;
	_ =	strace $0x9FFFFFFF  }
0xc8: {  	(tm) =	ssettm $0x7FFFFFFF  }
0xc9: {  	_ =	shalt  }
tec
execute0_lowered:
.L_overlay_start_1:
0x0: {  	(tag) =	ssettag $0x1  }
0x1: {  	v0 =	vimm.s32 $0xFEDCBA98;
	s7 =	rddreg [dreg:$0x0];
	v1 =	vimm.s32 $0x76543210  }
0x2: {  	s0 =	rddreg [dreg:$0x1];
	v2 =	vimm.s32 $0xBA98FEDC;
	v3 =	vimm.s32 $0x32107654;
	v4 =	vimm.s32 $0xDCFE98BA  }
0x3: {  	s1 =	rddreg [dreg:$0x2];
	v5 =	vimm.s32 $0x54761032;
	v6 =	vimm.s32 $0xEFCDAB89;
	v7 =	vimm.s32 $0x67452301  }
0x4: {  	s2 =	rddreg [dreg:$0x3];
	v0 =	vunpack.c.l.s4.s8 v0;
	v1 =	vunpack.c.l.s4.s8 v1;
	v2 =	vunpack.c.l.s4.s8 v2  }
0x5: {  	s4 =	rddreg [dreg:$0x4];
	v3 =	vunpack.c.l.s4.s8 v3;
	v4 =	vunpack.c.l.s4.s8 v4;
	v5 =	vunpack.c.l.s4.s8 v5  }
0x6: {  	s5 =	srdreg.scid;
	s3 =	rddreg [dreg:$0x5];
	s6 =	simm.s32 $0x0;
	v6 =	vunpack.c.l.s4.s8 v6;
	v7 =	vunpack.c.l.s4.s8 v7;
	v0 =	vunpack.c.0.s8.s32 v0  }
0x7: {  	s12 =	simm.s32 $0x4100;
	s13 =	simm.s32 $0x80;
	s14 =	simm.s32 $0x1;
	v2 =	vunpack.c.0.s8.s32 v2;
	v3 =	vunpack.c.0.s8.s32 v3;
	v4 =	vunpack.c.0.s8.s32 v4  }
0x8: {  	s15 =	simm.s32 $0x0;
	s8 =	sand.u32 $0x1, s5;
	s5 =	stileid.u32;
	v5 =	vunpack.c.0.s8.s32 v5;
	v6 =	vunpack.c.0.s8.s32 v6;
	v7 =	vunpack.c.0.s8.s32 v7  }
0x9: {  	[smem:$0x7FF] =	sst s6;
	s7 =	sadd.s32 $0x400, s7;
	s9 =	ssub.s32 $0x2, s8;
	v1 =	vunpack.c.0.s8.s32 v1;
	v2 =	vcombine.low v3, v2  }
0xa: {  	s11 =	sshll.u32 s5, $0x1;
	_ =	strace $0x80000047;
	s10 =	sshrl.u32 s9, $0x1;
	v3 =	vcombine.low v5, v4;
	v4 =	vcombine.low v7, v6;
	v0 =	vand.u32 $0xF, v0  }
0xb: {  	s8 =	sor.u32 s8, s11;
	s11 =	simm.s32 $0x2;
	s9 =	ssub.s32 s9, s10;
	v0 =	vcombine.low v0, v1  }
0xc: {  	s8 =	smul.u32 $0x1900, s8;
	s10 =	simm.s32 $0x4080;
	s9 =	smax.u32 s9, $0x1;
	v1 =	vand.u32 $0xF, v2;
	v2 =	vand.u32 $0xF, v3;
	v3 =	vand.u32 $0xF, v4  }
.LBB2_1:
0xd: {  	[tilespmem:s10], [sflag:$0x2] =	stream.linear.gather [hbm4b:s1+s6], $0x80, $0x38;
	[tilespmem:$0x4180] =	vst v63  }
0xe: {  	_ =	swait.ge [sflag:s11], $0x80  }
0xf: {  	[sflag:s11] =	ssyncset.done $0x0  }
0x10: {  	[sflag:s11] =	ssyncadd.s32 $0xFFFFFF80  }
0x11: {  	[tilespmem:s12], [sflag:$0x2] =	stream.linear.gather [hbm4b:s2+s6], $0x80, $0x38;
	[tilespmem:$0x4180] =	vst v63  }
0x12: {  	_ =	swait.ge [sflag:s11], $0x80  }
0x13: {  	[sflag:s11] =	ssyncset.done $0x0  }
0x14: {  	[sflag:s11] =	ssyncadd.s32 $0xFFFFFF80  }
0x15: {  	v4 =	vld [tilespmem:$0x4080]  }
0x16: {  	v5 =	vld [tilespmem:$0x4090]  }
0x17: {  	v6 =	vld [tilespmem:$0x40A0]  }
0x18: {  	v7 =	vld [tilespmem:$0x40B0]  }
0x19: {  	v8 =	vld [tilespmem:$0x40C0]  }
0x1a: {  	v9 =	vld [tilespmem:$0x40D0]  }
0x1b: {  	v10 =	vld [tilespmem:$0x40E0]  }
0x1c: {  	v11 =	vld [tilespmem:$0x40F0]  }
0x1d: {  	v12 =	vld [tilespmem:$0x4100]  }
0x1e: {  	v13 =	vld [tilespmem:$0x4110]  }
0x1f: {  	v14 =	vld [tilespmem:$0x4120]  }
0x20: {  	v15 =	vld [tilespmem:$0x4130]  }
0x21: {  	v16 =	vld [tilespmem:$0x4140]  }
0x22: {  	v17 =	vld [tilespmem:$0x4150]  }
0x23: {  	v18 =	vld [tilespmem:$0x4160]  }
0x24: {  	s16 =	simm.s32 $0x0;
	v19 =	vld [tilespmem:$0x4170]  }
.LBB2_2:
0x25: {  	s17 =	sshll.u32 s16, $0x7  }
0x26: {  	s17 =	sadd.s32 s8, s17  }
0x27: {  	s18 =	sshrl.u32 s17, $0x3  }
0x28: {  	s18 =	sadd.s32 s7, s18  }
0x29: {  	[tilespmem:s6], [sflag:$0x2] =	stream.linear.gather [hbm4b:s18+s6], $0x80, $0x38;
	[tilespmem:$0x4180] =	vst v63  }
0x2a: {  	_ =	swait.ge [sflag:s11], $0x80  }
0x2b: {  	[sflag:s11] =	ssyncset.done $0x0  }
0x2c: {  	[sflag:s11] =	ssyncadd.s32 $0xFFFFFF80  }
0x2d: {  	[tilespmem:s13], [sflag:$0x1] =	stream.indirect.gather [hbm4b:s0+s13], $0x80, s6, s13, $0xb8;
	[tilespmem:$0x4180] =	vst v63  }
0x2e: {  	_ =	swait.ge [sflag:s14], $0x4000  }
0x2f: {  	[sflag:s14] =	ssyncset.done $0x0  }
0x30: {  	s19 =	simm.s32 $0x180;
	s18 =	simm.s32 $0xFFFFFFFC;
	[sflag:s14] =	ssyncadd.s32 $0xFFFFC000  }
.LBB2_3:
0x31: {  	v20 =	vld [tilespmem:s19+$0xFFFFFF00]  }
0x32: {  	v21 =	vld [tilespmem:s19+$0xFFFFFF10]  }
0x33: {  	v22 =	vld [tilespmem:s19+$0xFFFFFF20]  }
0x34: {  	v23 =	vld [tilespmem:s19+$0xFFFFFF30]  }
0x35: {  	v24 =	vld [tilespmem:s19+$0xFFFFFF40]  }
0x36: {  	v25 =	vld [tilespmem:s19+$0xFFFFFF50]  }
0x37: {  	v26 =	vld [tilespmem:s19+$0xFFFFFF60]  }
0x38: {  	v27 =	vld [tilespmem:s19+$0xFFFFFF70];
	_ =	sdelay $0x2  }
0x39: {  	v28 =	vadd.f32 v21, v20;
	v29 =	vadd.f32 v23, v22;
	v31 =	vmul.f32 v20, v20  }
0x3a: {  	v30 =	vadd.f32 v25, v24;
	v32 =	vmul.f32 v21, v21;
	v34 =	vmul.f32 v22, v22  }
0x3b: {  	v33 =	vadd.f32 v27, v26;
	v35 =	vmul.f32 v23, v23;
	v57 =	vmul.f32 v24, v24  }
0x3c: {  	v36 =	vmul.f32 v25, v25;
	v58 =	vmul.f32 v26, v26  }
0x3d: {  	v37 =	vmul.f32 v27, v27;
	v28 =	vadd.f32 v29, v28;
	v30 =	vadd.f32 v33, v30  }
0x3e: {  	v31 =	vadd.f32 v32, v31;
	v59 =	vadd.f32 v35, v34  }
0x3f: {  	v29 =	vadd.f32 v36, v57;
	v33 =	vadd.f32 v37, v58  }
0x40: {  	v31 =	vadd.f32 v59, v31  }
0x41: {  	v29 =	vadd.f32 v33, v29;
	v28 =	vadd.f32 v30, v28;
	_ =	sdelay $0x1  }
0x42: {  	v30 =	vperm.xlane v28, v0;
	v29 =	vadd.f32 v29, v31;
	_ =	sdelay $0x1  }
0x43: {  	v28 =	vadd.f32 v28, v30;
	v60 =	vperm.xlane v29, v0;
	_ =	sdelay $0x1  }
0x44: {  	v61 =	vperm.xlane v28, v1;
	v29 =	vadd.f32 v60, v29;
	_ =	sdelay $0x1  }
0x45: {  	v28 =	vadd.f32 v28, v61;
	v30 =	vperm.xlane v29, v1;
	_ =	sdelay $0x1  }
0x46: {  	v31 =	vperm.xlane v28, v2;
	v29 =	vadd.f32 v30, v29;
	_ =	sdelay $0x1  }
0x47: {  	v28 =	vadd.f32 v28, v31;
	v30 =	vperm.xlane v29, v2;
	_ =	sdelay $0x1  }
0x48: {  	v31 =	vperm.xlane v28, v3;
	v29 =	vadd.f32 v30, v29;
	_ =	sdelay $0x1  }
0x49: {  	v28 =	vadd.f32 v28, v31;
	v30 =	vperm.xlane v29, v3;
	_ =	sdelay $0x1  }
0x4a: {  	v28 =	vmul.f32 $7.812500000e-03, v28;
	v29 =	vadd.f32 v30, v29;
	_ =	sdelay $0x1  }
0x4b: {  	v29 =	vmul.f32 $7.812500000e-03, v29;
	v62 =	vmul.f32 v28, v28;
	_ =	sdelay $0x1  }
0x4c: {  	v29 =	vsub.f32 v29, v62;
	_ =	sdelay $0x1  }
0x4d: {  	v29 =	vadd.f32 $9.999999960e-13, v29;
	_ =	sdelay $0x1  }
0x4e: {  	v63 =	vshrl.u32 v29, $0x1;
	v29 =	vmul.f32 $5.000000000e-01, v29  }
0x4f: {  	v30 =	vsub.s32 $0x5F3759DF, v63  }
0x50: {  	v33 =	vmul.f32 v30, v29;
	_ =	sdelay $0x1  }
0x51: {  	v31 =	vmul.f32 v30, v33;
	_ =	sdelay $0x1  }
0x52: {  	v31 =	vsub.f32 $1.500000000e+00, v31;
	_ =	sdelay $0x1  }
0x53: {  	v30 =	vmul.f32 v30, v31;
	_ =	sdelay $0x1  }
0x54: {  	v31 =	vmul.f32 v30, v29;
	_ =	sdelay $0x1  }
0x55: {  	v31 =	vmul.f32 v31, v30;
	_ =	sdelay $0x1  }
0x56: {  	v31 =	vsub.f32 $1.500000000e+00, v31;
	_ =	sdelay $0x1  }
0x57: {  	v30 =	vmul.f32 v31, v30;
	_ =	sdelay $0x1  }
0x58: {  	v29 =	vmul.f32 v30, v29;
	_ =	sdelay $0x1  }
0x59: {  	v29 =	vmul.f32 v29, v30;
	_ =	sdelay $0x1  }
0x5a: {  	v29 =	vsub.f32 $1.500000000e+00, v29;
	_ =	sdelay $0x1  }
0x5b: {  	v28 =	vsub.f32 $0.0e+00, v28;
	v29 =	vmul.f32 v29, v30;
	_ =	sdelay $0x1  }
0x5c: {  	v28 =	vmul.f32 v29, v28;
	v20 =	vmul.f32 v29, v20;
	_ =	sdelay $0x1  }
0x5d: {  	v22 =	vmul.f32 v29, v22;
	v20 =	vadd.f32 v28, v20  }
0x5e: {  	v43 =	vld [tilespmem:s19+$0xFFFFFF90]  }
0x5f: {  	v44 =	vld [tilespmem:s19+$0xFFFFFFA0];
	v24 =	vmul.f32 v29, v24;
	v22 =	vadd.f32 v28, v22;
	v20 =	vmul.f32 v20, v4  }
0x60: {  	v45 =	vld [tilespmem:s19+$0xFFFFFFB0];
	v26 =	vmul.f32 v29, v26  }
0x61: {  	v46 =	vld [tilespmem:s19+$0xFFFFFFC0];
	v24 =	vadd.f32 v28, v24;
	v22 =	vmul.f32 v22, v6;
	v20 =	vadd.f32 v20, v12  }
0x62: {  	v47 =	vld [tilespmem:s19+$0xFFFFFFD0]  }
0x63: {  	v48 =	vld [tilespmem:s19+$0xFFFFFFE0];
	v35 =	vadd.f32 v28, v26;
	v34 =	vmul.f32 v24, v8;
	[tilespmem:s19+$0xFFFFFF00] =	vst v20;
	v20 =	vadd.f32 v22, v14  }
0x64: {  	v49 =	vld [tilespmem:s19+$0xFFFFFFF0]  }
0x65: {  	v39 =	vmul.f32 v35, v10;
	[tilespmem:s19+$0xFFFFFF20] =	vst v20;
	v20 =	vadd.f32 v34, v16;
	_ =	sdelay $0x1  }
0x66: {  	v54 =	vmul.f32 v43, v43;
	[tilespmem:s19+$0xFFFFFF40] =	vst v20;
	v20 =	vadd.f32 v39, v18  }
0x67: {  	v51 =	vadd.f32 v45, v44;
	v56 =	vmul.f32 v44, v44;
	v57 =	vmul.f32 v45, v45  }
0x68: {  	v52 =	vadd.f32 v47, v46;
	v60 =	vmul.f32 v48, v48;
	v61 =	vmul.f32 v49, v49;
	[tilespmem:s19+$0xFFFFFF60] =	vst v20;
	v20 =	vld [tilespmem:s19+$0xFFFFFF80]  }
0x69: {  	v55 =	vadd.f32 v49, v48;
	v58 =	vmul.f32 v46, v46;
	v59 =	vmul.f32 v47, v47  }
0x6a: {  	v62 =	vadd.f32 v57, v56;
	v33 =	vadd.f32 v61, v60;
	v21 =	vmul.f32 v29, v21  }
0x6b: {  	v30 =	vadd.f32 v55, v52;
	v23 =	vmul.f32 v29, v23;
	v25 =	vmul.f32 v29, v25  }
0x6c: {  	v27 =	vmul.f32 v29, v27;
	v29 =	vadd.f32 v59, v58;
	v21 =	vadd.f32 v28, v21  }
0x6d: {  	v23 =	vadd.f32 v28, v23;
	v50 =	vadd.f32 v43, v20;
	v53 =	vmul.f32 v20, v20  }
0x6e: {  	v25 =	vadd.f32 v28, v25;
	v38 =	vadd.f32 v28, v27  }
0x6f: {  	v28 =	vadd.f32 v51, v50;
	v31 =	vadd.f32 v54, v53  }
0x70: {  	v29 =	vadd.f32 v33, v29  }
0x71: {  	v31 =	vadd.f32 v62, v31;
	v28 =	vadd.f32 v30, v28;
	_ =	sdelay $0x1  }
0x72: {  	v30 =	vperm.xlane v28, v0;
	v29 =	vadd.f32 v29, v31;
	_ =	sdelay $0x1  }
0x73: {  	v28 =	vadd.f32 v28, v30;
	v63 =	vperm.xlane v29, v0;
	_ =	sdelay $0x1  }
0x74: {  	v33 =	vperm.xlane v28, v1;
	v29 =	vadd.f32 v63, v29;
	_ =	sdelay $0x1  }
0x75: {  	v28 =	vadd.f32 v28, v33;
	v30 =	vperm.xlane v29, v1;
	_ =	sdelay $0x1  }
0x76: {  	v31 =	vperm.xlane v28, v2;
	v29 =	vadd.f32 v30, v29;
	_ =	sdelay $0x1  }
0x77: {  	v28 =	vadd.f32 v28, v31;
	v30 =	vperm.xlane v29, v2;
	_ =	sdelay $0x1  }
0x78: {  	v31 =	vperm.xlane v28, v3;
	v29 =	vadd.f32 v30, v29;
	_ =	sdelay $0x1  }
0x79: {  	v28 =	vadd.f32 v28, v31;
	v30 =	vperm.xlane v29, v3;
	_ =	sdelay $0x1  }
0x7a: {  	v28 =	vmul.f32 $7.812500000e-03, v28;
	v29 =	vadd.f32 v30, v29;
	_ =	sdelay $0x1  }
0x7b: {  	v29 =	vmul.f32 $7.812500000e-03, v29;
	v34 =	vmul.f32 v28, v28;
	_ =	sdelay $0x1  }
0x7c: {  	v29 =	vsub.f32 v29, v34;
	_ =	sdelay $0x1  }
0x7d: {  	v23 =	vmul.f32 v23, v7;
	v29 =	vadd.f32 $9.999999960e-13, v29;
	_ =	sdelay $0x1  }
0x7e: {  	v36 =	vadd.f32 v23, v15;
	v35 =	vshrl.u32 v29, $0x1;
	v29 =	vmul.f32 $5.000000000e-01, v29  }
0x7f: {  	v30 =	vsub.s32 $0x5F3759DF, v35  }
0x80: {  	[tilespmem:s19+$0xFFFFFF30] =	vst v36;
	v36 =	vmul.f32 v30, v29;
	_ =	sdelay $0x1  }
0x81: {  	v31 =	vmul.f32 v30, v36;
	_ =	sdelay $0x1  }
0x82: {  	v31 =	vsub.f32 $1.500000000e+00, v31;
	_ =	sdelay $0x1  }
0x83: {  	v30 =	vmul.f32 v30, v31;
	_ =	sdelay $0x1  }
0x84: {  	v31 =	vmul.f32 v30, v29;
	_ =	sdelay $0x1  }
0x85: {  	v31 =	vmul.f32 v31, v30;
	_ =	sdelay $0x1  }
0x86: {  	v31 =	vsub.f32 $1.500000000e+00, v31;
	_ =	sdelay $0x1  }
0x87: {  	v30 =	vmul.f32 v31, v30;
	_ =	sdelay $0x1  }
0x88: {  	v29 =	vmul.f32 v30, v29;
	_ =	sdelay $0x1  }
0x89: {  	v29 =	vmul.f32 v29, v30;
	_ =	sdelay $0x1  }
0x8a: {  	v29 =	vsub.f32 $1.500000000e+00, v29;
	_ =	sdelay $0x1  }
0x8b: {  	v28 =	vsub.f32 $0.0e+00, v28;
	v29 =	vmul.f32 v29, v30;
	_ =	sdelay $0x1  }
0x8c: {  	v28 =	vmul.f32 v29, v28;
	v20 =	vmul.f32 v29, v20  }
0x8d: {  	v21 =	vmul.f32 v21, v5  }
0x8e: {  	v22 =	vmul.f32 v29, v44;
	v20 =	vadd.f32 v28, v20  }
0x8f: {  	v37 =	vmul.f32 v25, v9;
	v41 =	vmul.f32 v38, v11;
	v21 =	vadd.f32 v21, v13  }
0x90: {  	v24 =	vmul.f32 v29, v46;
	v22 =	vadd.f32 v28, v22;
	v20 =	vmul.f32 v20, v4  }
0x91: {  	v40 =	vadd.f32 v37, v17;
	[tilespmem:s19+$0xFFFFFF10] =	vst v21;
	v21 =	vmul.f32 v29, v43;
	v26 =	vmul.f32 v29, v48  }
0x92: {  	v50 =	vld [tilespmem:s19+$0x60];
	v24 =	vadd.f32 v28, v24;
	v22 =	vmul.f32 v22, v6;
	v20 =	vadd.f32 v20, v12  }
0x93: {  	v42 =	vadd.f32 v41, v19;
	v51 =	vld [tilespmem:s19+$0x70];
	v21 =	vadd.f32 v28, v21  }
0x94: {  	v38 =	vadd.f32 v28, v26;
	v37 =	vmul.f32 v24, v8;
	[tilespmem:s19+$0xFFFFFF80] =	vst v20;
	v20 =	vadd.f32 v22, v14  }
0x95: {  	[tilespmem:s19+$0xFFFFFF70] =	vst v42;
	v46 =	vld [tilespmem:s19+$0x20];
	v21 =	vmul.f32 v21, v5  }
0x96: {  	v48 =	vld [tilespmem:s19+$0x40];
	v42 =	vmul.f32 v38, v10;
	[tilespmem:s19+$0xFFFFFFA0] =	vst v20;
	v20 =	vadd.f32 v37, v16  }
0x97: {  	v62 =	vmul.f32 v50, v50;
	v27 =	vmul.f32 v29, v49;
	v49 =	vld [tilespmem:s19+$0x50];
	v21 =	vadd.f32 v21, v13  }
0x98: {  	v63 =	vmul.f32 v51, v51;
	v25 =	vmul.f32 v29, v47;
	v47 =	vld [tilespmem:s19+$0x30];
	[tilespmem:s19+$0xFFFFFFC0] =	vst v20;
	v20 =	vadd.f32 v42, v18  }
0x99: {  	v57 =	vadd.f32 v51, v50;
	v23 =	vmul.f32 v29, v45;
	[tilespmem:s19+$0xFFFFFF90] =	vst v21;
	v21 =	vld [tilespmem:s19+$0x10]  }
0x9a: {  	v33 =	vadd.f32 v63, v62;
	v25 =	vadd.f32 v28, v25;
	[tilespmem:s19+$0xFFFFFFE0] =	vst v20;
	v20 =	vld [tilespmem:s19+$0x0]  }
0x9b: {  	v23 =	vadd.f32 v28, v23;
	v41 =	vadd.f32 v28, v27  }
0x9c: {  	[tilespmem:s19+$0xFFFFFF50] =	vst v40;
	v40 =	vmul.f32 v25, v9;
	v54 =	vadd.f32 v49, v48;
	v58 =	vmul.f32 v46, v46  }
0x9d: {  	v53 =	vadd.f32 v47, v46;
	v59 =	vmul.f32 v47, v47;
	v60 =	vmul.f32 v48, v48  }
0x9e: {  	v61 =	vmul.f32 v49, v49;
	v43 =	vadd.f32 v40, v17;
	v30 =	vadd.f32 v57, v54  }
0x9f: {  	v56 =	vmul.f32 v21, v21;
	v52 =	vadd.f32 v21, v20;
	v55 =	vmul.f32 v20, v20  }
0xa0: {  	v40 =	vadd.f32 v59, v58;
	v29 =	vadd.f32 v61, v60  }
0xa1: {  	v28 =	vadd.f32 v53, v52;
	v31 =	vadd.f32 v56, v55  }
0xa2: {  	v29 =	vadd.f32 v33, v29  }
0xa3: {  	v31 =	vadd.f32 v40, v31;
	v28 =	vadd.f32 v30, v28;
	_ =	sdelay $0x1  }
0xa4: {  	v30 =	vperm.xlane v28, v0;
	v29 =	vadd.f32 v29, v31;
	_ =	sdelay $0x1  }
0xa5: {  	v44 =	vmul.f32 v41, v11;
	v28 =	vadd.f32 v28, v30;
	v41 =	vperm.xlane v29, v0;
	_ =	sdelay $0x1  }
0xa6: {  	v42 =	vperm.xlane v28, v1;
	v29 =	vadd.f32 v41, v29;
	_ =	sdelay $0x1  }
0xa7: {  	v28 =	vadd.f32 v28, v42;
	v30 =	vperm.xlane v29, v1;
	_ =	sdelay $0x1  }
0xa8: {  	v31 =	vperm.xlane v28, v2;
	v29 =	vadd.f32 v30, v29;
	_ =	sdelay $0x1  }
0xa9: {  	v28 =	vadd.f32 v28, v31;
	v30 =	vperm.xlane v29, v2;
	_ =	sdelay $0x1  }
0xaa: {  	v31 =	vperm.xlane v28, v3;
	v29 =	vadd.f32 v30, v29;
	_ =	sdelay $0x1  }
0xab: {  	v28 =	vadd.f32 v28, v31;
	v30 =	vperm.xlane v29, v3;
	_ =	sdelay $0x1  }
0xac: {  	v28 =	vmul.f32 $7.812500000e-03, v28;
	v29 =	vadd.f32 v30, v29;
	_ =	sdelay $0x1  }
0xad: {  	[tilespmem:s19+$0xFFFFFFD0] =	vst v43;
	v29 =	vmul.f32 $7.812500000e-03, v29;
	v43 =	vmul.f32 v28, v28;
	_ =	sdelay $0x1  }
0xae: {  	v29 =	vsub.f32 v29, v43;
	_ =	sdelay $0x1  }
0xaf: {  	v29 =	vadd.f32 $9.999999960e-13, v29;
	_ =	sdelay $0x1  }
0xb0: {  	v45 =	vadd.f32 v44, v19;
	v44 =	vshrl.u32 v29, $0x1;
	v29 =	vmul.f32 $5.000000000e-01, v29  }
0xb1: {  	v30 =	vsub.s32 $0x5F3759DF, v44  }
0xb2: {  	[tilespmem:s19+$0xFFFFFFF0] =	vst v45;
	v45 =	vmul.f32 v30, v29;
	_ =	sdelay $0x1  }
0xb3: {  	v31 =	vmul.f32 v30, v45;
	_ =	sdelay $0x1  }
0xb4: {  	v31 =	vsub.f32 $1.500000000e+00, v31;
	_ =	sdelay $0x1  }
0xb5: {  	v30 =	vmul.f32 v30, v31;
	_ =	sdelay $0x1  }
0xb6: {  	v31 =	vmul.f32 v30, v29;
	_ =	sdelay $0x1  }
0xb7: {  	v31 =	vmul.f32 v31, v30;
	_ =	sdelay $0x1  }
0xb8: {  	v31 =	vsub.f32 $1.500000000e+00, v31;
	_ =	sdelay $0x1  }
0xb9: {  	v30 =	vmul.f32 v31, v30;
	_ =	sdelay $0x1  }
0xba: {  	v29 =	vmul.f32 v30, v29;
	_ =	sdelay $0x1  }
0xbb: {  	v29 =	vmul.f32 v29, v30;
	_ =	sdelay $0x1  }
0xbc: {  	v29 =	vsub.f32 $1.500000000e+00, v29;
	_ =	sdelay $0x1  }
0xbd: {  	v28 =	vsub.f32 $0.0e+00, v28;
	v29 =	vmul.f32 v29, v30;
	_ =	sdelay $0x1  }
0xbe: {  	v28 =	vmul.f32 v29, v28;
	v20 =	vmul.f32 v29, v20;
	_ =	sdelay $0x1  }
0xbf: {  	v22 =	vmul.f32 v29, v46;
	v20 =	vadd.f32 v28, v20  }
0xc0: {  	v23 =	vmul.f32 v23, v7  }
0xc1: {  	v24 =	vmul.f32 v29, v48;
	v22 =	vadd.f32 v28, v22;
	v20 =	vmul.f32 v20, v4  }
0xc2: {  	v57 =	vld [tilespmem:s19+$0xC0];
	v21 =	vmul.f32 v29, v21;
	v26 =	vmul.f32 v29, v50  }
0xc3: {  	v58 =	vld [tilespmem:s19+$0xD0];
	v24 =	vadd.f32 v28, v24;
	v22 =	vmul.f32 v22, v6;
	v20 =	vadd.f32 v20, v12  }
0xc4: {  	v39 =	vadd.f32 v23, v15;
	v59 =	vld [tilespmem:s19+$0xE0];
	v23 =	vmul.f32 v29, v47;
	v21 =	vadd.f32 v28, v21  }
0xc5: {  	v60 =	vld [tilespmem:s19+$0xF0];
	v47 =	vadd.f32 v28, v26;
	v46 =	vmul.f32 v24, v8;
	[tilespmem:s19+$0x0] =	vst v20;
	v20 =	vadd.f32 v22, v14  }
0xc6: {  	v55 =	vld [tilespmem:s19+$0xA0];
	v21 =	vmul.f32 v21, v5  }
0xc7: {  	v56 =	vld [tilespmem:s19+$0xB0];
	v27 =	vmul.f32 v29, v51;
	v51 =	vmul.f32 v47, v10;
	[tilespmem:s19+$0x20] =	vst v20;
	v20 =	vadd.f32 v46, v16  }
0xc8: {  	v25 =	vmul.f32 v29, v49;
	v21 =	vadd.f32 v21, v13  }
0xc9: {  	v23 =	vadd.f32 v28, v23;
	[tilespmem:s19+$0x40] =	vst v20;
	v20 =	vadd.f32 v51, v18  }
0xca: {  	v63 =	vadd.f32 v58, v57;
	v25 =	vadd.f32 v28, v25;
	[tilespmem:s19+$0x10] =	vst v21;
	v21 =	vld [tilespmem:s19+$0x90]  }
0xcb: {  	v42 =	vadd.f32 v60, v59;
	v43 =	vmul.f32 v55, v55;
	v23 =	vmul.f32 v23, v7;
	[tilespmem:s19+$0x60] =	vst v20;
	v20 =	vld [tilespmem:s19+$0x80]  }
0xcc: {  	v62 =	vadd.f32 v56, v55;
	v44 =	vmul.f32 v56, v56;
	v49 =	vmul.f32 v25, v9  }
0xcd: {  	v45 =	vmul.f32 v57, v57;
	v30 =	vadd.f32 v42, v63;
	v48 =	vadd.f32 v23, v15  }
0xce: {  	v50 =	vadd.f32 v28, v27;
	v47 =	vmul.f32 v59, v59;
	v52 =	vadd.f32 v49, v17  }
0xcf: {  	v49 =	vadd.f32 v44, v43;
	[tilespmem:s19+$0x30] =	vst v48;
	v48 =	vmul.f32 v60, v60;
	v46 =	vmul.f32 v58, v58  }
0xd0: {  	v41 =	vmul.f32 v21, v21;
	v61 =	vadd.f32 v21, v20;
	v40 =	vmul.f32 v20, v20  }
0xd1: {  	v33 =	vadd.f32 v48, v47;
	v29 =	vadd.f32 v46, v45  }
0xd2: {  	v28 =	vadd.f32 v62, v61;
	v31 =	vadd.f32 v41, v40  }
0xd3: {  	v29 =	vadd.f32 v33, v29  }
0xd4: {  	v31 =	vadd.f32 v49, v31;
	v28 =	vadd.f32 v30, v28;
	_ =	sdelay $0x1  }
0xd5: {  	v30 =	vperm.xlane v28, v0;
	v29 =	vadd.f32 v29, v31;
	_ =	sdelay $0x1  }
0xd6: {  	v53 =	vmul.f32 v50, v11;
	v28 =	vadd.f32 v28, v30;
	v50 =	vperm.xlane v29, v0;
	_ =	sdelay $0x1  }
0xd7: {  	v51 =	vperm.xlane v28, v1;
	v29 =	vadd.f32 v50, v29;
	_ =	sdelay $0x1  }
0xd8: {  	v28 =	vadd.f32 v28, v51;
	v30 =	vperm.xlane v29, v1;
	_ =	sdelay $0x1  }
0xd9: {  	v31 =	vperm.xlane v28, v2;
	v29 =	vadd.f32 v30, v29;
	_ =	sdelay $0x1  }
0xda: {  	v28 =	vadd.f32 v28, v31;
	v30 =	vperm.xlane v29, v2;
	_ =	sdelay $0x1  }
0xdb: {  	v31 =	vperm.xlane v28, v3;
	v29 =	vadd.f32 v30, v29;
	_ =	sdelay $0x1  }
0xdc: {  	v28 =	vadd.f32 v28, v31;
	v30 =	vperm.xlane v29, v3;
	_ =	sdelay $0x1  }
0xdd: {  	v28 =	vmul.f32 $7.812500000e-03, v28;
	v29 =	vadd.f32 v30, v29;
	_ =	sdelay $0x1  }
0xde: {  	[tilespmem:s19+$0x50] =	vst v52;
	v29 =	vmul.f32 $7.812500000e-03, v29;
	v52 =	vmul.f32 v28, v28;
	_ =	sdelay $0x1  }
0xdf: {  	v29 =	vsub.f32 v29, v52;
	_ =	sdelay $0x1  }
0xe0: {  	v29 =	vadd.f32 $9.999999960e-13, v29;
	_ =	sdelay $0x1  }
0xe1: {  	v54 =	vadd.f32 v53, v19;
	v53 =	vshrl.u32 v29, $0x1;
	v29 =	vmul.f32 $5.000000000e-01, v29  }
0xe2: {  	v30 =	vsub.s32 $0x5F3759DF, v53  }
0xe3: {  	[tilespmem:s19+$0x70] =	vst v54;
	v54 =	vmul.f32 v30, v29;
	_ =	sdelay $0x1  }
0xe4: {  	v31 =	vmul.f32 v30, v54;
	_ =	sdelay $0x1  }
0xe5: {  	v31 =	vsub.f32 $1.500000000e+00, v31;
	_ =	sdelay $0x1  }
0xe6: {  	v30 =	vmul.f32 v30, v31;
	_ =	sdelay $0x1  }
0xe7: {  	v31 =	vmul.f32 v30, v29;
	_ =	sdelay $0x1  }
0xe8: {  	v31 =	vmul.f32 v31, v30;
	_ =	sdelay $0x1  }
0xe9: {  	v31 =	vsub.f32 $1.500000000e+00, v31;
	_ =	sdelay $0x1  }
0xea: {  	v30 =	vmul.f32 v31, v30;
	_ =	sdelay $0x1  }
0xeb: {  	v29 =	vmul.f32 v30, v29;
	_ =	sdelay $0x1  }
0xec: {  	v29 =	vmul.f32 v29, v30;
	_ =	sdelay $0x1  }
0xed: {  	v29 =	vsub.f32 $1.500000000e+00, v29;
	_ =	sdelay $0x1  }
0xee: {  	v28 =	vsub.f32 $0.0e+00, v28;
	v29 =	vmul.f32 v29, v30;
	_ =	sdelay $0x1  }
0xef: {  	v28 =	vmul.f32 v29, v28;
	v20 =	vmul.f32 v29, v20  }
0xf0: {  	v21 =	vmul.f32 v29, v21  }
0xf1: {  	v22 =	vmul.f32 v29, v55;
	v23 =	vmul.f32 v29, v56;
	v20 =	vadd.f32 v28, v20  }
0xf2: {  	v24 =	vmul.f32 v29, v57;
	v25 =	vmul.f32 v29, v58;
	v21 =	vadd.f32 v28, v21  }
0xf3: {  	v26 =	vmul.f32 v29, v59;
	v23 =	vadd.f32 v28, v23;
	v20 =	vmul.f32 v20, v4  }
0xf4: {  	v27 =	vmul.f32 v29, v60;
	v22 =	vadd.f32 v28, v22;
	v21 =	vmul.f32 v21, v5  }
0xf5: {  	v25 =	vadd.f32 v28, v25;
	v23 =	vmul.f32 v23, v7;
	v20 =	vadd.f32 v20, v12  }
0xf6: {  	[tilespmem:s19+$0xFFFFFFB0] =	vst v39;
	v24 =	vadd.f32 v28, v24;
	v22 =	vmul.f32 v22, v6;
	v21 =	vadd.f32 v21, v13  }
0xf7: {  	v59 =	vadd.f32 v28, v27;
	v58 =	vmul.f32 v25, v9;
	v57 =	vadd.f32 v23, v15;
	[tilespmem:s19+$0x80] =	vst v20  }
0xf8: {  	s18 =	sadd.s32 $0x4, s18;
	v56 =	vadd.f32 v28, v26;
	v55 =	vmul.f32 v24, v8;
	v20 =	vadd.f32 v22, v14;
	[tilespmem:s19+$0x90] =	vst v21  }
0xf9: {  	p0 =	slt.u32 s18, $0x7C;
	v62 =	vmul.f32 v59, v11;
	v61 =	vadd.f32 v58, v17;
	[tilespmem:s19+$0xB0] =	vst v57  }
.Ltmp0:
0xfa: {  	v60 =	vmul.f32 v56, v10;
	[tilespmem:s19+$0xA0] =	vst v20;
	v20 =	vadd.f32 v55, v16;
	(pc) =	sbr.rel @p0 .LBB2_3-.Ltmp0, $4  }
0xfb: {  	v63 =	vadd.f32 v62, v19;
	[tilespmem:s19+$0xD0] =	vst v61  }
0xfc: {  	[tilespmem:s19+$0xC0] =	vst v20;
	v20 =	vadd.f32 v60, v18  }
0xfd: {  	[tilespmem:s19+$0xF0] =	vst v63  }
0xfe: {  	[tilespmem:s19+$0xE0] =	vst v20;
	s19 =	sadd.s32 $0x200, s19  }
0xff: {  	s16 =	sadd.s32 $0x1, s16  }
0x100: {  	s17 =	sshll.u32 s17, $0x4;
	p0 =	sne.s32 s16, $0x32  }
.Ltmp1:
0x101: {  	s17 =	sadd.s32 s4, s17;
	(pc) =	sbr.rel @p0 .LBB2_2-.Ltmp1, $4  }
0x102: {  	[hbm4b:s17+s6] =	stream.linear.scatter [tilespmem:s13], [sflag:$0x2], $0x4000, $0x38;
	[tilespmem:$0x4180] =	vst v63  }
0x103: {  	_ =	swait.ge [sflag:s11], $0x4000  }
0x104: {  	[sflag:s11] =	ssyncset.done $0x0  }
0x105: {  	[sflag:s11] =	ssyncadd.s32 $0xFFFFC000  }
0x106: {  	s15 =	sadd.s32 $0x1, s15  }
0x107: {  	p0 =	sne.s32 s15, s9  }
.Ltmp2:
0x108: {  	_ = 	snop;
	(pc) =	sbr.rel @p0 .LBB2_1-.Ltmp2, $1  }
0x109: {  	_ =	sdelay $0x3  }
0x10a: {  	_ =	sfence.sel $0x180000  }
0x10b: {  	[bflag:$0x0] =	sbarrier.arrive $0xFFFF  }
0x10c: {  	p0 =	sne.s32 s5, $0x0;
	_ =	strace $0x90000047  }
0x10d: {  	s0 =	sadd.s32 @!p0 $0x100000, s3;
	[bflag:$0x2] =	sbarrier.arrive $0xFFFF  }
0x10e: {  	[sflag:s0] =	ssyncadd.tile.s32 @!p0 $0x1;
	_ =	shalt  }
.Lfunc_end2:
_tile_overlayer_lowered:
.L_overlay_start_2:
0x10f: {  	(tag) =	ssettag $0x2  }
0x110: {  	s0 =	rddreg [dreg:$0x0];
	s2 =	stileid.u32  }
0x111: {  	s1 =	rddreg [dreg:$0x1];
	p0 =	sne.s32 s2, $0x0  }
0x112: {  	s3 =	rddreg [dreg:$0x2];
	[bflag:$0x3] =	sbarrier.arrive $0xFFFF;
	s2 =	simm.s32 @!p0 $0x1C02  }
0x113: {  	[timem:s3], [sflag:s2] =	dma.local @!p0 [hbm:s0], s1  }
0x114: {  	s0 =	simm.s32 @!p0 $0x2  }
0x115: {  	_ =	swait.ge @!p0 [sflag:s0], s1  }
0x116: {  	s1 =	ssub.s32 @!p0 $0x0, s1;
	[sflag:s0] =	ssyncset.done @!p0 $0x0  }
0x117: {  	[sflag:s0] =	ssyncadd.s32 @!p0 s1  }
0x118: {  	[bflag:$0x3] =	sbarrier.arrive $0xFFFF  }
0x119: {  	_ =	shalt  }

</sc_bundles>
